<compile_context>
chip_gen: v7x
topology: tpu7x:2x2x1
jax: 0.10.2.dev20260603
libtpu: 0.0.44.dev20260713+nightly
codegen_flags: <defaults>
</compile_context>

<pallas_src>
import functools

import jax
import jax.numpy as jnp
from jax import lax
from jax.experimental import pallas as pl
from jax.experimental.pallas import tpu as pltpu
from jax.experimental.pallas import tpu_sc as plsc

N_SUB = 16
GROUP = 512
FDIM = 128
NEDGE = 131072
NNODES = N_SUB * GROUP
A_SIZE = NNODES * GROUP
WIN = 128
HALF_WORDS = A_SIZE // 2
TILE_WORDS = HALF_WORDS // 16
ZCHUNK = 8192


ECHUNK = NEDGE // 16
NWIN = ECHUNK // WIN


def _sc_build_adj(adj):
    mesh = plsc.VectorSubcoreMesh(core_axis_name="core", subcore_axis_name="subcore")

    @functools.partial(
        pl.kernel,
        out_type=jax.ShapeDtypeStruct((A_SIZE,), jnp.float32),
        mesh=mesh,
        compiler_params=pltpu.CompilerParams(needs_layout_passes=False),
        scratch_types=[
            pltpu.VMEM((ZCHUNK,), jnp.float32),
            pltpu.VMEM((WIN,), jnp.float32),
            pltpu.VMEM((ECHUNK,), jnp.int32),
            pltpu.VMEM((ECHUNK,), jnp.int32),
            pltpu.VMEM((ECHUNK + 16,), jnp.int32),
            pltpu.VMEM((NWIN, WIN), jnp.int32),
            pltpu.SemaphoreType.DMA,
            pltpu.SemaphoreType.DMA,
        ],
    )
    def build(adj_hbm, a_hbm, zbuf, ones, srcv, dstv, cbuf, idx2,
              sem, semz):
        cid = lax.axis_index("core")
        sid = lax.axis_index("subcore")

        ebase = sid * ECHUNK
        cp_s = pltpu.async_copy(adj_hbm.at[0, pl.ds(ebase, ECHUNK)], srcv, sem)
        cp_d = pltpu.async_copy(adj_hbm.at[1, pl.ds(ebase, ECHUNK)], dstv, sem)

        with jax.named_scope("zfill"):
            zero16 = jnp.zeros((16,), jnp.float32)

            @pl.loop(0, ZCHUNK, step=64)
            def _(i):
                zbuf[pl.ds(i, 16)] = zero16
                zbuf[pl.ds(i + 16, 16)] = zero16
                zbuf[pl.ds(i + 32, 16)] = zero16
                zbuf[pl.ds(i + 48, 16)] = zero16

            @pl.loop(0, WIN, step=16)
            def _(i):
                ones[pl.ds(i, 16)] = jnp.full((16,), 1.0, jnp.float32)

        base = cid * HALF_WORDS + sid * TILE_WORDS
        zcps = [
            pltpu.async_copy(zbuf, a_hbm.at[pl.ds(base + j * ZCHUNK, ZCHUNK)],
                             semz)
            for j in range(TILE_WORDS // ZCHUNK)
        ]

        with jax.named_scope("edge_wait"):
            cp_s.wait()
            cp_d.wait()

        def cbody(i, off):
            vals = []
            for u in range(8):
                sl = pl.ds(i * 128 + u * 16, 16)
                sv = srcv[sl]
                dv = dstv[sl]
                valid = ((sv >> 9) == (dv >> 9)) & ((sv >> 12) == cid)
                flat = ((sv >> 9) * (GROUP * GROUP)
                        + ((dv >> 7) & 3) * (GROUP * WIN)
                        + (sv & (GROUP - 1)) * WIN
                        + (dv & (WIN - 1)))
                vals.append((valid, flat, jnp.sum(valid.astype(jnp.int32))))
            for valid, flat, pop in vals:
                plsc.store_compressed(cbuf.at[pl.ds(off, 16)], flat, mask=valid)
                off = off + pop
            return off

        with jax.named_scope("compact"):
            cnt = lax.fori_loop(0, ECHUNK // 128, cbody, 0)
        nwin = (cnt + (WIN - 1)) // WIN

        first = plsc.load_gather(cbuf, [jnp.zeros((16,), jnp.int32)])

        def tbody(k, carry):
            sl = pl.ds(k * 16, 16)
            pos = k * 16 + lax.iota(jnp.int32, 16)
            cur = cbuf[sl]
            cbuf[sl] = jnp.where(pos >= cnt, first, cur)
            return carry

        with jax.named_scope("tailfill"):
            lax.fori_loop(cnt // 16, nwin * 8, tbody, 0)

        def copybody(i, carry):
            idx2[i // 8, pl.ds((i % 8) * 16, 16)] = cbuf[pl.ds(i * 16, 16)]
            return carry

        with jax.named_scope("copywin"):
            lax.fori_loop(0, nwin * 8, copybody, 0)

        with jax.named_scope("zero_wait"):
            for z in zcps:
                z.wait()
        with jax.named_scope("barrier"):
            plsc.subcore_barrier()

        def sbody(j, carry):
            pltpu.sync_copy(ones, a_hbm.at[idx2.at[j]])
            return carry

        with jax.named_scope("scatter"):
            lax.fori_loop(0, nwin, sbody, 0)

    return build(adj)


def _tc_softmax_body(x_ref, w_ref, b_ref, s_ref, out_ref):
    w = w_ref[...]
    wh = w.astype(jnp.bfloat16)
    b = b_ref[...]
    for u in range(2):
        x = x_ref[u]
        xh = x.astype(jnp.bfloat16)
        logits = jnp.dot(xh, wh, preferred_element_type=jnp.float32) + b
        m = jnp.max(logits, axis=1, keepdims=True)
        e = jnp.exp(logits - m)
        s = e / jnp.sum(e, axis=1, keepdims=True)
        sh = s.astype(jnp.bfloat16)
        s_ref[u] = sh
        out_ref[u] = lax.dot_general(
            sh, xh, (((0,), (0,)), ((), ())),
            preferred_element_type=jnp.float32)


def _tc_softmax(x16, w, b2):
    s16, out = pl.pallas_call(
        _tc_softmax_body,
        grid=(N_SUB // 2,),
        in_specs=[
            pl.BlockSpec((2, GROUP, FDIM), lambda i: (i, 0, 0)),
            pl.BlockSpec((FDIM, GROUP), lambda i: (0, 0)),
            pl.BlockSpec((1, GROUP), lambda i: (0, 0)),
        ],
        out_specs=[
            pl.BlockSpec((2, GROUP, GROUP), lambda i: (i, 0, 0)),
            pl.BlockSpec((2, GROUP, FDIM), lambda i: (i, 0, 0)),
        ],
        out_shape=[
            jax.ShapeDtypeStruct((N_SUB, GROUP, GROUP), jnp.bfloat16),
            jax.ShapeDtypeStruct((N_SUB, GROUP, FDIM), jnp.float32),
        ],
    )(x16, w, b2)
    return s16, out


def _tc_diag_body(a_ref, s_ref, diag_ref):
    for u in range(2):
        sh = s_ref[u]
        s = sh.astype(jnp.float32)
        a = a_ref[u].astype(jnp.bfloat16)
        tmp = jnp.dot(a[0 * GROUP:1 * GROUP], sh[0 * WIN:1 * WIN],
                      preferred_element_type=jnp.float32)
        tmp += jnp.dot(a[1 * GROUP:2 * GROUP], sh[1 * WIN:2 * WIN],
                       preferred_element_type=jnp.float32)
        tmp += jnp.dot(a[2 * GROUP:3 * GROUP], sh[2 * WIN:3 * WIN],
                       preferred_element_type=jnp.float32)
        tmp += jnp.dot(a[3 * GROUP:4 * GROUP], sh[3 * WIN:4 * WIN],
                       preferred_element_type=jnp.float32)
        diag_ref[u] = jnp.sum(s * tmp, axis=0, keepdims=True)


def _tc_diag(a16, s16):
    return pl.pallas_call(
        _tc_diag_body,
        grid=(N_SUB // 2,),
        in_specs=[
            pl.BlockSpec((2, 4 * GROUP, WIN), lambda i: (i, 0, 0)),
            pl.BlockSpec((2, GROUP, GROUP), lambda i: (i, 0, 0)),
        ],
        out_specs=pl.BlockSpec((2, 1, GROUP), lambda i: (i, 0, 0)),
        out_shape=jax.ShapeDtypeStruct((N_SUB, 1, GROUP), jnp.float32),
    )(a16, s16)


def kernel(temporal_graph, temporal_adj, W_pool, b_pool):
    x16 = temporal_graph.reshape(N_SUB, GROUP, FDIM)

    a_flat = _sc_build_adj(temporal_adj.astype(jnp.int32))
    a16 = a_flat.reshape(N_SUB, 4 * GROUP, WIN)

    s16, out = _tc_softmax(x16, W_pool, b_pool.reshape(1, GROUP))
    diag = _tc_diag(a16, s16)

    temporal_pooled = out.reshape(1, NNODES, FDIM)
    new_weights = diag.reshape(NNODES)
    ar = jnp.arange(NNODES, dtype=temporal_adj.dtype)
    new_adj = jnp.stack([ar, ar])
    return (temporal_pooled, new_adj, new_weights)

# --- scband reference (transcript-rebuilt; emitter-appended) ---
"""Pipeline reference for scband-temporal-diff-pooling-86225763435145 (READ-ONLY COPY).

The authoritative reference and input builder live on the scoring server;
editing this copy changes nothing except your own understanding.
"""

import jax, jax.numpy as jnp
import numpy as np
from math import ceil

IN_CHANNELS = 128
WINDOW = 2
N_NODES = 8192
N_SUBGRAPHS = 16
GROUP = N_NODES // N_SUBGRAPHS
CLUSTERS = ceil(WINDOW * GROUP * 0.5)
N_EDGES = 131072


def setup_inputs(seed: int = 0):
    key = jax.random.key(seed)
    k1, k2, k3 = jax.random.split(key, 3)
    temporal_graph = jax.random.normal(k1, (1, N_NODES, IN_CHANNELS), dtype=jnp.float32)
    temporal_adj = jax.random.randint(k2, (2, N_EDGES), 0, N_NODES)
    W_pool = jax.random.normal(k3, (IN_CHANNELS, CLUSTERS), dtype=jnp.float32) * 0.05
    b_pool = jnp.zeros((CLUSTERS,), dtype=jnp.float32)
    return {"temporal_graph": temporal_graph, "temporal_adj": temporal_adj, "W_pool": W_pool, "b_pool": b_pool}


def _dmon_pool(x, adj, W, b):
    # DMoNPooling (PyG-style math); dropout off in eval
    s = jax.nn.softmax(jnp.einsum('bnf,fk->bnk', x, W) + b, axis=-1)
    out = jnp.einsum('bnk,bnf->bkf', s, x)
    tmp = jnp.einsum('bnm,bmk->bnk', adj, s)
    out_adj = jnp.einsum('bnk,bnl->bkl', s, tmp)
    d = adj.sum(-1)
    m = d.sum(-1) / 2.0 + 1e-9
    ca = jnp.einsum('bnk,bn->bk', s, d)
    spectral_loss = (-(jnp.einsum('bkk->b', out_adj) - jnp.einsum('bk,bk->b', ca, ca) / (2.0 * m)) / (2.0 * m)).mean()
    ss = jnp.einsum('bnk,bnl->bkl', s, s)
    k = s.shape[-1]
    i_s = jnp.eye(k, dtype=s.dtype) / jnp.sqrt(float(k))
    ortho_loss = jnp.linalg.norm(ss / (jnp.linalg.norm(ss, axis=(-2, -1), keepdims=True) + 1e-9) - i_s[None], axis=(-2, -1)).mean()
    cluster_loss = (jnp.sqrt(float(k)) / s.shape[1] * jnp.linalg.norm(s.sum(axis=1), axis=-1) - 1.0).mean()
    return s, out, out_adj, spectral_loss, ortho_loss, cluster_loss


def reference(temporal_graph, temporal_adj, W_pool, b_pool):
    adj = temporal_adj
    clustered_graphs = []
    clustered_adjs = []
    luts = []
    for si in range(N_SUBGRAPHS):
        lo = si * GROUP
        hi = lo + GROUP
        # k_hop_subgraph (target_to_source, directed, relabeled) approximated as
        # the within-block edge set for node range [lo, hi)
        emask = (adj[0] >= lo) & (adj[0] < hi) & (adj[1] >= lo) & (adj[1] < hi)
        rel0 = adj[0] - lo
        rel1 = adj[1] - lo
        i0 = jnp.where(emask, rel0, GROUP)
        i1 = jnp.where(emask, rel1, GROUP)
        # relabel LUT for this block (non-block edges scatter out of bounds)
        lut = jnp.arange(GROUP, dtype=adj.dtype) + lo
        lut = lut.at[i0].set(jnp.where(emask, adj[0], 0))
        lut = lut.at[i1].set(jnp.where(emask, adj[1], 0))
        luts.append(lut)
        x_sub = temporal_graph[:, lo:hi]
        # to_dense_adj with edge_weights=None -> ones
        dense = jnp.zeros((GROUP, GROUP), dtype=jnp.float32).at[i0, i1].set(1.0)
        dense_b = jnp.broadcast_to(dense[None], (x_sub.shape[0], GROUP, GROUP))
        _, out, out_adj, sl, ol, cl = _dmon_pool(x_sub, dense_b, W_pool, b_pool)
        clustered_graphs.append(out)
        clustered_adjs.append(out_adj)
    clustered_graphs = jnp.stack(clustered_graphs)            # [C, B, K, F]
    clustered_adjs = jnp.concatenate(clustered_adjs, axis=0)  # [C*B, K, K]
    # build_interconnected_timestep_mask
    n = clustered_graphs.shape[-2]
    mask_np = np.zeros((n, n), dtype=np.float32)
    for i in range(0, n, GROUP):
        mask_np += np.diag(np.ones(n, dtype=np.float32), k=i)[:n, :n]
    clustered_adjs = clustered_adjs * jnp.asarray(mask_np)
    # restore_graph_shape: 'c b (n s) f -> c b n s f' then 'c b n s f -> b (n c s) f'
    C, B, K, F = clustered_graphs.shape
    nn = K // GROUP
    cg = clustered_graphs.reshape(C, B, nn, GROUP, F)
    temporal_pooled = cg.transpose(1, 2, 0, 3, 4).reshape(B, nn * C * GROUP, F)
    # dense_to_sparse + remap to original node indexing
    mr, mc = np.nonzero(mask_np)
    coo = []
    wts = []
    for si in range(N_SUBGRAPHS):
        a = clustered_adjs[si]
        attr = a[mr, mc]
        lut = luts[si]
        rr = lut[jnp.clip(mr, 0, GROUP - 1)]
        cc = lut[jnp.clip(mc, 0, GROUP - 1)]
        coo.append(jnp.stack([rr, cc]))
        wts.append(attr)
    new_adj = jnp.concatenate(coo, axis=-1)
    new_weights = jnp.concatenate(wts)
    return (temporal_pooled, new_adj, new_weights)

if __name__ == "__main__":
    import jax
    _d = setup_inputs()
    print(jax.jit(kernel)(*tuple(_d.values())))

</pallas_src>

<mosaic_0001>
#map = affine_map<(d0, d1) -> (0, 0)>
#map1 = affine_map<(d0, d1) -> (0)>
module attributes {stable_mosaic.version = 14 : i64} {
  func.func @build(%arg0: i32, %arg1: i32, %arg2: memref<2x131072xi32, #tpu.memory_space<hbm>>, %arg3: memref<4194304xf32, #tpu.memory_space<hbm>>, %arg4: memref<8192xf32, #tpu.memory_space<vmem>>, %arg5: memref<128xf32, #tpu.memory_space<vmem>>, %arg6: memref<8192xi32, #tpu.memory_space<vmem>>, %arg7: memref<8192xi32, #tpu.memory_space<vmem>>, %arg8: memref<8208xi32, #tpu.memory_space<vmem>>, %arg9: memref<64x128xi32, #tpu.memory_space<vmem>>, %arg10: memref<!tpu.dma_semaphore, #tpu.memory_space<semaphore_mem>>, %arg11: memref<!tpu.dma_semaphore, #tpu.memory_space<semaphore_mem>>) attributes {dimension_semantics = [#tpu.dimension_semantics<core_parallel>, #tpu.dimension_semantics<subcore_parallel>], iteration_bounds = array<i64: 2, 16>, scalar_prefetch = 0 : i64, scratch_operands = 8 : i64, tpu.core_type = #tpu.core_type<sc_vector_subcore>, window_params = [{transform_indices = #map}, {transform_indices = #map1}]} {
    %mul3A = arith.constant 8192 : i32
    %mul3A_0 = arith.muli %arg1, %mul3A : i32
    %dma_start3A = arith.constant 0 : i32
    %dma_start3A_1 = tpu.memref_slice %arg2[%dma_start3A, %mul3A_0] : memref<2x131072xi32, #tpu.memory_space<hbm>> -> memref<1x8192xi32, #tpu.memory_space<hbm>>
    %dma_start3A_2 = tpu.memref_squeeze %dma_start3A_1 : memref<1x8192xi32, #tpu.memory_space<hbm>> -> memref<8192xi32, #tpu.memory_space<hbm>>
    %dma_start3A_3 = tpu.memref_slice %arg2[%dma_start3A, %mul3A_0] : memref<2x131072xi32, #tpu.memory_space<hbm>> -> memref<1x8192xi32, #tpu.memory_space<hbm>>
    %dma_start3A_4 = tpu.memref_squeeze %dma_start3A_3 : memref<1x8192xi32, #tpu.memory_space<hbm>> -> memref<8192xi32, #tpu.memory_space<hbm>>
    tpu.enqueue_dma source(%dma_start3A_4 : memref<8192xi32, #tpu.memory_space<hbm>>) target(%arg6 : memref<8192xi32, #tpu.memory_space<vmem>>) target_semaphore(%arg10 : memref<!tpu.dma_semaphore, #tpu.memory_space<semaphore_mem>>)
    %dma_start3A_5 = arith.constant 1 : i32
    %dma_start3A_6 = tpu.memref_slice %arg2[%dma_start3A_5, %mul3A_0] : memref<2x131072xi32, #tpu.memory_space<hbm>> -> memref<1x8192xi32, #tpu.memory_space<hbm>>
    %dma_start3A_7 = tpu.memref_squeeze %dma_start3A_6 : memref<1x8192xi32, #tpu.memory_space<hbm>> -> memref<8192xi32, #tpu.memory_space<hbm>>
    %dma_start3A_8 = tpu.memref_slice %arg2[%dma_start3A_5, %mul3A_0] : memref<2x131072xi32, #tpu.memory_space<hbm>> -> memref<1x8192xi32, #tpu.memory_space<hbm>>
    %dma_start3A_9 = tpu.memref_squeeze %dma_start3A_8 : memref<1x8192xi32, #tpu.memory_space<hbm>> -> memref<8192xi32, #tpu.memory_space<hbm>>
    tpu.enqueue_dma source(%dma_start3A_9 : memref<8192xi32, #tpu.memory_space<hbm>>) target(%arg7 : memref<8192xi32, #tpu.memory_space<vmem>>) target_semaphore(%arg10 : memref<!tpu.dma_semaphore, #tpu.memory_space<semaphore_mem>>)
    %broadcast_in_dim3A = arith.constant 0.000000e+00 : f32
    "tpu.trace_start"() <{level = 10 : i32, message = "zfill"}> : () -> ()
    %broadcast_in_dim3A_10 = vector.broadcast %broadcast_in_dim3A : f32 to vector<16xf32>
    %scan3A = arith.constant 0 : i32
    %scan3A_11 = arith.constant 128 : i32
    %scan3A_12 = arith.addi %scan3A, %scan3A_11 : i32
    %scan3A_13 = arith.constant 1 : i32
    scf.for %scan3A_212 = %scan3A to %scan3A_12 step %scan3A_13  : i32 {
      %mul3A_213 = arith.constant 64 : i32
      %mul3A_214 = arith.muli %scan3A_212, %mul3A_213 : i32
      %add3A_215 = arith.constant 0 : i32
      %add3A_216 = arith.addi %add3A_215, %mul3A_214 : i32
      %swap3A = arith.index_cast %add3A_216 : i32 to index
      %swap3A_217 = tpu.vector_load %arg4[%swap3A] {strides = array<i32>} : memref<8192xf32, #tpu.memory_space<vmem>>, vector<16xf32>,
      tpu.vector_store %arg4[%swap3A], %broadcast_in_dim3A_10 {strides = array<i32>} : memref<8192xf32, #tpu.memory_space<vmem>>, vector<16xf32>,
      %add3A_218 = arith.constant 16 : i32
      %add3A_219 = arith.addi %add3A_216, %add3A_218 : i32
      %swap3A_220 = arith.index_cast %add3A_219 : i32 to index
      %swap3A_221 = tpu.vector_load %arg4[%swap3A_220] {strides = array<i32>} : memref<8192xf32, #tpu.memory_space<vmem>>, vector<16xf32>,
      tpu.vector_store %arg4[%swap3A_220], %broadcast_in_dim3A_10 {strides = array<i32>} : memref<8192xf32, #tpu.memory_space<vmem>>, vector<16xf32>,
      %add3A_222 = arith.constant 32 : i32
      %add3A_223 = arith.addi %add3A_216, %add3A_222 : i32
      %swap3A_224 = arith.index_cast %add3A_223 : i32 to index
      %swap3A_225 = tpu.vector_load %arg4[%swap3A_224] {strides = array<i32>} : memref<8192xf32, #tpu.memory_space<vmem>>, vector<16xf32>,
      tpu.vector_store %arg4[%swap3A_224], %broadcast_in_dim3A_10 {strides = array<i32>} : memref<8192xf32, #tpu.memory_space<vmem>>, vector<16xf32>,
      %add3A_226 = arith.constant 48 : i32
      %add3A_227 = arith.addi %add3A_216, %add3A_226 : i32
      %swap3A_228 = arith.index_cast %add3A_227 : i32 to index
      %swap3A_229 = tpu.vector_load %arg4[%swap3A_228] {strides = array<i32>} : memref<8192xf32, #tpu.memory_space<vmem>>, vector<16xf32>,
      tpu.vector_store %arg4[%swap3A_228], %broadcast_in_dim3A_10 {strides = array<i32>} : memref<8192xf32, #tpu.memory_space<vmem>>, vector<16xf32>,
    }
    %scan3A_14 = arith.constant 128 : i32
    %scan3A_15 = arith.constant 0 : i32
    %scan3A_16 = arith.constant 8 : i32
    %scan3A_17 = arith.addi %scan3A_15, %scan3A_16 : i32
    %scan3A_18 = arith.constant 1 : i32
    scf.for %scan3A_212 = %scan3A_15 to %scan3A_17 step %scan3A_18  : i32 {
      %mul3A_213 = arith.constant 16 : i32
      %mul3A_214 = arith.muli %scan3A_212, %mul3A_213 : i32
      %add3A_215 = arith.constant 0 : i32
      %add3A_216 = arith.addi %add3A_215, %mul3A_214 : i32
      %broadcast_in_dim3A_217 = arith.constant 1.000000e+00 : f32
      %broadcast_in_dim3A_218 = vector.broadcast %broadcast_in_dim3A_217 : f32 to vector<16xf32>
      %swap3A = arith.index_cast %add3A_216 : i32 to index
      %swap3A_219 = tpu.vector_load %arg5[%swap3A] {strides = array<i32>} : memref<128xf32, #tpu.memory_space<vmem>>, vector<16xf32>,
      tpu.vector_store %arg5[%swap3A], %broadcast_in_dim3A_218 {strides = array<i32>} : memref<128xf32, #tpu.memory_space<vmem>>, vector<16xf32>,
    }
    %scan3A_19 = arith.constant 8 : i32
    "tpu.trace_stop"() : () -> ()
    %mul3A_20 = arith.constant 2097152 : i32
    %mul3A_21 = arith.muli %arg0, %mul3A_20 : i32
    %mul3A_22 = arith.constant 131072 : i32
    %mul3A_23 = arith.muli %arg1, %mul3A_22 : i32
    %add3A = arith.addi %mul3A_21, %mul3A_23 : i32
    %add3A_24 = arith.constant 0 : i32
    %add3A_25 = arith.addi %add3A, %add3A_24 : i32
    %dma_start3A_26 = tpu.memref_slice %arg3[%add3A_25] : memref<4194304xf32, #tpu.memory_space<hbm>> -> memref<8192xf32, #tpu.memory_space<hbm>>
    %dma_start3A_27 = tpu.memref_slice %arg3[%add3A_25] : memref<4194304xf32, #tpu.memory_space<hbm>> -> memref<8192xf32, #tpu.memory_space<hbm>>
    tpu.enqueue_dma source(%arg4 : memref<8192xf32, #tpu.memory_space<vmem>>) target(%dma_start3A_27 : memref<8192xf32, #tpu.memory_space<hbm>>) target_semaphore(%arg11 : memref<!tpu.dma_semaphore, #tpu.memory_space<semaphore_mem>>)
    %add3A_28 = arith.constant 8192 : i32
    %add3A_29 = arith.addi %add3A, %add3A_28 : i32
    %dma_start3A_30 = tpu.memref_slice %arg3[%add3A_29] : memref<4194304xf32, #tpu.memory_space<hbm>> -> memref<8192xf32, #tpu.memory_space<hbm>>
    %dma_start3A_31 = tpu.memref_slice %arg3[%add3A_29] : memref<4194304xf32, #tpu.memory_space<hbm>> -> memref<8192xf32, #tpu.memory_space<hbm>>
    tpu.enqueue_dma source(%arg4 : memref<8192xf32, #tpu.memory_space<vmem>>) target(%dma_start3A_31 : memref<8192xf32, #tpu.memory_space<hbm>>) target_semaphore(%arg11 : memref<!tpu.dma_semaphore, #tpu.memory_space<semaphore_mem>>)
    %add3A_32 = arith.constant 16384 : i32
    %add3A_33 = arith.addi %add3A, %add3A_32 : i32
    %dma_start3A_34 = tpu.memref_slice %arg3[%add3A_33] : memref<4194304xf32, #tpu.memory_space<hbm>> -> memref<8192xf32, #tpu.memory_space<hbm>>
    %dma_start3A_35 = tpu.memref_slice %arg3[%add3A_33] : memref<4194304xf32, #tpu.memory_space<hbm>> -> memref<8192xf32, #tpu.memory_space<hbm>>
    tpu.enqueue_dma source(%arg4 : memref<8192xf32, #tpu.memory_space<vmem>>) target(%dma_start3A_35 : memref<8192xf32, #tpu.memory_space<hbm>>) target_semaphore(%arg11 : memref<!tpu.dma_semaphore, #tpu.memory_space<semaphore_mem>>)
    %add3A_36 = arith.constant 24576 : i32
    %add3A_37 = arith.addi %add3A, %add3A_36 : i32
    %dma_start3A_38 = tpu.memref_slice %arg3[%add3A_37] : memref<4194304xf32, #tpu.memory_space<hbm>> -> memref<8192xf32, #tpu.memory_space<hbm>>
    %dma_start3A_39 = tpu.memref_slice %arg3[%add3A_37] : memref<4194304xf32, #tpu.memory_space<hbm>> -> memref<8192xf32, #tpu.memory_space<hbm>>
    tpu.enqueue_dma source(%arg4 : memref<8192xf32, #tpu.memory_space<vmem>>) target(%dma_start3A_39 : memref<8192xf32, #tpu.memory_space<hbm>>) target_semaphore(%arg11 : memref<!tpu.dma_semaphore, #tpu.memory_space<semaphore_mem>>)
    %add3A_40 = arith.constant 32768 : i32
    %add3A_41 = arith.addi %add3A, %add3A_40 : i32
    %dma_start3A_42 = tpu.memref_slice %arg3[%add3A_41] : memref<4194304xf32, #tpu.memory_space<hbm>> -> memref<8192xf32, #tpu.memory_space<hbm>>
    %dma_start3A_43 = tpu.memref_slice %arg3[%add3A_41] : memref<4194304xf32, #tpu.memory_space<hbm>> -> memref<8192xf32, #tpu.memory_space<hbm>>
    tpu.enqueue_dma source(%arg4 : memref<8192xf32, #tpu.memory_space<vmem>>) target(%dma_start3A_43 : memref<8192xf32, #tpu.memory_space<hbm>>) target_semaphore(%arg11 : memref<!tpu.dma_semaphore, #tpu.memory_space<semaphore_mem>>)
    %add3A_44 = arith.constant 40960 : i32
    %add3A_45 = arith.addi %add3A, %add3A_44 : i32
    %dma_start3A_46 = tpu.memref_slice %arg3[%add3A_45] : memref<4194304xf32, #tpu.memory_space<hbm>> -> memref<8192xf32, #tpu.memory_space<hbm>>
    %dma_start3A_47 = tpu.memref_slice %arg3[%add3A_45] : memref<4194304xf32, #tpu.memory_space<hbm>> -> memref<8192xf32, #tpu.memory_space<hbm>>
    tpu.enqueue_dma source(%arg4 : memref<8192xf32, #tpu.memory_space<vmem>>) target(%dma_start3A_47 : memref<8192xf32, #tpu.memory_space<hbm>>) target_semaphore(%arg11 : memref<!tpu.dma_semaphore, #tpu.memory_space<semaphore_mem>>)
    %add3A_48 = arith.constant 49152 : i32
    %add3A_49 = arith.addi %add3A, %add3A_48 : i32
    %dma_start3A_50 = tpu.memref_slice %arg3[%add3A_49] : memref<4194304xf32, #tpu.memory_space<hbm>> -> memref<8192xf32, #tpu.memory_space<hbm>>
    %dma_start3A_51 = tpu.memref_slice %arg3[%add3A_49] : memref<4194304xf32, #tpu.memory_space<hbm>> -> memref<8192xf32, #tpu.memory_space<hbm>>
    tpu.enqueue_dma source(%arg4 : memref<8192xf32, #tpu.memory_space<vmem>>) target(%dma_start3A_51 : memref<8192xf32, #tpu.memory_space<hbm>>) target_semaphore(%arg11 : memref<!tpu.dma_semaphore, #tpu.memory_space<semaphore_mem>>)
    %add3A_52 = arith.constant 57344 : i32
    %add3A_53 = arith.addi %add3A, %add3A_52 : i32
    %dma_start3A_54 = tpu.memref_slice %arg3[%add3A_53] : memref<4194304xf32, #tpu.memory_space<hbm>> -> memref<8192xf32, #tpu.memory_space<hbm>>
    %dma_start3A_55 = tpu.memref_slice %arg3[%add3A_53] : memref<4194304xf32, #tpu.memory_space<hbm>> -> memref<8192xf32, #tpu.memory_space<hbm>>
    tpu.enqueue_dma source(%arg4 : memref<8192xf32, #tpu.memory_space<vmem>>) target(%dma_start3A_55 : memref<8192xf32, #tpu.memory_space<hbm>>) target_semaphore(%arg11 : memref<!tpu.dma_semaphore, #tpu.memory_space<semaphore_mem>>)
    %add3A_56 = arith.constant 65536 : i32
    %add3A_57 = arith.addi %add3A, %add3A_56 : i32
    %dma_start3A_58 = tpu.memref_slice %arg3[%add3A_57] : memref<4194304xf32, #tpu.memory_space<hbm>> -> memref<8192xf32, #tpu.memory_space<hbm>>
    %dma_start3A_59 = tpu.memref_slice %arg3[%add3A_57] : memref<4194304xf32, #tpu.memory_space<hbm>> -> memref<8192xf32, #tpu.memory_space<hbm>>
    tpu.enqueue_dma source(%arg4 : memref<8192xf32, #tpu.memory_space<vmem>>) target(%dma_start3A_59 : memref<8192xf32, #tpu.memory_space<hbm>>) target_semaphore(%arg11 : memref<!tpu.dma_semaphore, #tpu.memory_space<semaphore_mem>>)
    %add3A_60 = arith.constant 73728 : i32
    %add3A_61 = arith.addi %add3A, %add3A_60 : i32
    %dma_start3A_62 = tpu.memref_slice %arg3[%add3A_61] : memref<4194304xf32, #tpu.memory_space<hbm>> -> memref<8192xf32, #tpu.memory_space<hbm>>
    %dma_start3A_63 = tpu.memref_slice %arg3[%add3A_61] : memref<4194304xf32, #tpu.memory_space<hbm>> -> memref<8192xf32, #tpu.memory_space<hbm>>
    tpu.enqueue_dma source(%arg4 : memref<8192xf32, #tpu.memory_space<vmem>>) target(%dma_start3A_63 : memref<8192xf32, #tpu.memory_space<hbm>>) target_semaphore(%arg11 : memref<!tpu.dma_semaphore, #tpu.memory_space<semaphore_mem>>)
    %add3A_64 = arith.constant 81920 : i32
    %add3A_65 = arith.addi %add3A, %add3A_64 : i32
    %dma_start3A_66 = tpu.memref_slice %arg3[%add3A_65] : memref<4194304xf32, #tpu.memory_space<hbm>> -> memref<8192xf32, #tpu.memory_space<hbm>>
    %dma_start3A_67 = tpu.memref_slice %arg3[%add3A_65] : memref<4194304xf32, #tpu.memory_space<hbm>> -> memref<8192xf32, #tpu.memory_space<hbm>>
    tpu.enqueue_dma source(%arg4 : memref<8192xf32, #tpu.memory_space<vmem>>) target(%dma_start3A_67 : memref<8192xf32, #tpu.memory_space<hbm>>) target_semaphore(%arg11 : memref<!tpu.dma_semaphore, #tpu.memory_space<semaphore_mem>>)
    %add3A_68 = arith.constant 90112 : i32
    %add3A_69 = arith.addi %add3A, %add3A_68 : i32
    %dma_start3A_70 = tpu.memref_slice %arg3[%add3A_69] : memref<4194304xf32, #tpu.memory_space<hbm>> -> memref<8192xf32, #tpu.memory_space<hbm>>
    %dma_start3A_71 = tpu.memref_slice %arg3[%add3A_69] : memref<4194304xf32, #tpu.memory_space<hbm>> -> memref<8192xf32, #tpu.memory_space<hbm>>
    tpu.enqueue_dma source(%arg4 : memref<8192xf32, #tpu.memory_space<vmem>>) target(%dma_start3A_71 : memref<8192xf32, #tpu.memory_space<hbm>>) target_semaphore(%arg11 : memref<!tpu.dma_semaphore, #tpu.memory_space<semaphore_mem>>)
    %add3A_72 = arith.constant 98304 : i32
    %add3A_73 = arith.addi %add3A, %add3A_72 : i32
    %dma_start3A_74 = tpu.memref_slice %arg3[%add3A_73] : memref<4194304xf32, #tpu.memory_space<hbm>> -> memref<8192xf32, #tpu.memory_space<hbm>>
    %dma_start3A_75 = tpu.memref_slice %arg3[%add3A_73] : memref<4194304xf32, #tpu.memory_space<hbm>> -> memref<8192xf32, #tpu.memory_space<hbm>>
    tpu.enqueue_dma source(%arg4 : memref<8192xf32, #tpu.memory_space<vmem>>) target(%dma_start3A_75 : memref<8192xf32, #tpu.memory_space<hbm>>) target_semaphore(%arg11 : memref<!tpu.dma_semaphore, #tpu.memory_space<semaphore_mem>>)
    %add3A_76 = arith.constant 106496 : i32
    %add3A_77 = arith.addi %add3A, %add3A_76 : i32
    %dma_start3A_78 = tpu.memref_slice %arg3[%add3A_77] : memref<4194304xf32, #tpu.memory_space<hbm>> -> memref<8192xf32, #tpu.memory_space<hbm>>
    %dma_start3A_79 = tpu.memref_slice %arg3[%add3A_77] : memref<4194304xf32, #tpu.memory_space<hbm>> -> memref<8192xf32, #tpu.memory_space<hbm>>
    tpu.enqueue_dma source(%arg4 : memref<8192xf32, #tpu.memory_space<vmem>>) target(%dma_start3A_79 : memref<8192xf32, #tpu.memory_space<hbm>>) target_semaphore(%arg11 : memref<!tpu.dma_semaphore, #tpu.memory_space<semaphore_mem>>)
    %add3A_80 = arith.constant 114688 : i32
    %add3A_81 = arith.addi %add3A, %add3A_80 : i32
    %dma_start3A_82 = tpu.memref_slice %arg3[%add3A_81] : memref<4194304xf32, #tpu.memory_space<hbm>> -> memref<8192xf32, #tpu.memory_space<hbm>>
    %dma_start3A_83 = tpu.memref_slice %arg3[%add3A_81] : memref<4194304xf32, #tpu.memory_space<hbm>> -> memref<8192xf32, #tpu.memory_space<hbm>>
    tpu.enqueue_dma source(%arg4 : memref<8192xf32, #tpu.memory_space<vmem>>) target(%dma_start3A_83 : memref<8192xf32, #tpu.memory_space<hbm>>) target_semaphore(%arg11 : memref<!tpu.dma_semaphore, #tpu.memory_space<semaphore_mem>>)
    %add3A_84 = arith.constant 122880 : i32
    %add3A_85 = arith.addi %add3A, %add3A_84 : i32
    %dma_start3A_86 = tpu.memref_slice %arg3[%add3A_85] : memref<4194304xf32, #tpu.memory_space<hbm>> -> memref<8192xf32, #tpu.memory_space<hbm>>
    %dma_start3A_87 = tpu.memref_slice %arg3[%add3A_85] : memref<4194304xf32, #tpu.memory_space<hbm>> -> memref<8192xf32, #tpu.memory_space<hbm>>
    tpu.enqueue_dma source(%arg4 : memref<8192xf32, #tpu.memory_space<vmem>>) target(%dma_start3A_87 : memref<8192xf32, #tpu.memory_space<hbm>>) target_semaphore(%arg11 : memref<!tpu.dma_semaphore, #tpu.memory_space<semaphore_mem>>)
    %dma_wait3A = arith.constant 0 : i32
    "tpu.trace_start"() <{level = 10 : i32, message = "edge_wait"}> : () -> ()
    %dma_wait3A_88 = tpu.memref_slice %arg2[%dma_wait3A, %mul3A_0] : memref<2x131072xi32, #tpu.memory_space<hbm>> -> memref<1x8192xi32, #tpu.memory_space<hbm>>
    %dma_wait3A_89 = tpu.memref_squeeze %dma_wait3A_88 : memref<1x8192xi32, #tpu.memory_space<hbm>> -> memref<8192xi32, #tpu.memory_space<hbm>>
    %dma_wait3A_90 = tpu.memref_slice %arg2[%dma_wait3A, %mul3A_0] : memref<2x131072xi32, #tpu.memory_space<hbm>> -> memref<1x8192xi32, #tpu.memory_space<hbm>>
    %dma_wait3A_91 = tpu.memref_squeeze %dma_wait3A_90 : memref<1x8192xi32, #tpu.memory_space<hbm>> -> memref<8192xi32, #tpu.memory_space<hbm>>
    tpu.wait_dma2 semaphore(%arg10 : memref<!tpu.dma_semaphore, #tpu.memory_space<semaphore_mem>>) src(%dma_wait3A_91 : memref<8192xi32, #tpu.memory_space<hbm>>) dst(%arg6 : memref<8192xi32, #tpu.memory_space<vmem>>)
    %dma_wait3A_92 = arith.constant 1 : i32
    %dma_wait3A_93 = tpu.memref_slice %arg2[%dma_wait3A_92, %mul3A_0] : memref<2x131072xi32, #tpu.memory_space<hbm>> -> memref<1x8192xi32, #tpu.memory_space<hbm>>
    %dma_wait3A_94 = tpu.memref_squeeze %dma_wait3A_93 : memref<1x8192xi32, #tpu.memory_space<hbm>> -> memref<8192xi32, #tpu.memory_space<hbm>>
    %dma_wait3A_95 = tpu.memref_slice %arg2[%dma_wait3A_92, %mul3A_0] : memref<2x131072xi32, #tpu.memory_space<hbm>> -> memref<1x8192xi32, #tpu.memory_space<hbm>>
    %dma_wait3A_96 = tpu.memref_squeeze %dma_wait3A_95 : memref<1x8192xi32, #tpu.memory_space<hbm>> -> memref<8192xi32, #tpu.memory_space<hbm>>
    tpu.wait_dma2 semaphore(%arg10 : memref<!tpu.dma_semaphore, #tpu.memory_space<semaphore_mem>>) src(%dma_wait3A_96 : memref<8192xi32, #tpu.memory_space<hbm>>) dst(%arg7 : memref<8192xi32, #tpu.memory_space<vmem>>)
    "tpu.trace_stop"() : () -> ()
    "tpu.trace_start"() <{level = 10 : i32, message = "compact"}> : () -> ()
    %scan3A_97 = arith.constant 0 : i32
    %scan3A_98 = arith.constant 0 : i32
    %scan3A_99 = arith.constant 64 : i32
    %scan3A_100 = arith.addi %scan3A_98, %scan3A_99 : i32
    %scan3A_101 = arith.constant 1 : i32
    %scan3A_102 = scf.for %scan3A_212 = %scan3A_98 to %scan3A_100 step %scan3A_101 iter_args(%scan3A_213 = %scan3A_97) -> (i32)  : i32 {
      %mul3A_214 = arith.constant 128 : i32
      %mul3A_215 = arith.muli %scan3A_212, %mul3A_214 : i32
      %add3A_216 = arith.constant 0 : i32
      %add3A_217 = arith.addi %mul3A_215, %add3A_216 : i32
      %get3A = arith.index_cast %add3A_217 : i32 to index
      %get3A_218 = tpu.vector_load %arg6[%get3A] {strides = array<i32>} : memref<8192xi32, #tpu.memory_space<vmem>>, vector<16xi32>,
      %get3A_219 = arith.index_cast %add3A_217 : i32 to index
      %get3A_220 = tpu.vector_load %arg7[%get3A_219] {strides = array<i32>} : memref<8192xi32, #tpu.memory_space<vmem>>, vector<16xi32>,
      %shift_right_arithmetic3A = arith.constant 9 : i32
      %shift_right_arithmetic3A_221 = vector.broadcast %shift_right_arithmetic3A : i32 to vector<16xi32>
      %shift_right_arithmetic3A_222 = arith.shrsi %get3A_218, %shift_right_arithmetic3A_221 : vector<16xi32>
      %shift_right_arithmetic3A_223 = arith.constant 9 : i32
      %shift_right_arithmetic3A_224 = vector.broadcast %shift_right_arithmetic3A_223 : i32 to vector<16xi32>
      %shift_right_arithmetic3A_225 = arith.shrsi %get3A_220, %shift_right_arithmetic3A_224 : vector<16xi32>
      %eq3A = arith.cmpi eq, %shift_right_arithmetic3A_222, %shift_right_arithmetic3A_225 : vector<16xi32>
      %shift_right_arithmetic3A_226 = arith.constant 12 : i32
      %shift_right_arithmetic3A_227 = vector.broadcast %shift_right_arithmetic3A_226 : i32 to vector<16xi32>
      %shift_right_arithmetic3A_228 = arith.shrsi %get3A_218, %shift_right_arithmetic3A_227 : vector<16xi32>
      %eq3A_229 = vector.broadcast %arg0 : i32 to vector<16xi32>
      %eq3A_230 = arith.cmpi eq, %shift_right_arithmetic3A_228, %eq3A_229 : vector<16xi32>
      %and3A_231 = arith.andi %eq3A, %eq3A_230 : vector<16xi1>
      %shift_right_arithmetic3A_232 = arith.constant 9 : i32
      %shift_right_arithmetic3A_233 = vector.broadcast %shift_right_arithmetic3A_232 : i32 to vector<16xi32>
      %shift_right_arithmetic3A_234 = arith.shrsi %get3A_218, %shift_right_arithmetic3A_233 : vector<16xi32>
      %mul3A_235 = arith.constant 262144 : i32
      %mul3A_236 = vector.broadcast %mul3A_235 : i32 to vector<16xi32>
      %mul3A_237 = arith.muli %shift_right_arithmetic3A_234, %mul3A_236 : vector<16xi32>
      %shift_right_arithmetic3A_238 = arith.constant 7 : i32
      %shift_right_arithmetic3A_239 = vector.broadcast %shift_right_arithmetic3A_238 : i32 to vector<16xi32>
      %shift_right_arithmetic3A_240 = arith.shrsi %get3A_220, %shift_right_arithmetic3A_239 : vector<16xi32>
      %and3A_241 = arith.constant 3 : i32
      %and3A_242 = vector.broadcast %and3A_241 : i32 to vector<16xi32>
      %and3A_243 = arith.andi %shift_right_arithmetic3A_240, %and3A_242 : vector<16xi32>
      %mul3A_244 = arith.constant 65536 : i32
      %mul3A_245 = vector.broadcast %mul3A_244 : i32 to vector<16xi32>
      %mul3A_246 = arith.muli %and3A_243, %mul3A_245 : vector<16xi32>
      %add3A_247 = arith.addi %mul3A_237, %mul3A_246 : vector<16xi32>
      %and3A_248 = arith.constant 511 : i32
      %and3A_249 = vector.broadcast %and3A_248 : i32 to vector<16xi32>
      %and3A_250 = arith.andi %get3A_218, %and3A_249 : vector<16xi32>
      %mul3A_251 = arith.constant 128 : i32
      %mul3A_252 = vector.broadcast %mul3A_251 : i32 to vector<16xi32>
      %mul3A_253 = arith.muli %and3A_250, %mul3A_252 : vector<16xi32>
      %add3A_254 = arith.addi %add3A_247, %mul3A_253 : vector<16xi32>
      %and3A_255 = arith.constant 127 : i32
      %and3A_256 = vector.broadcast %and3A_255 : i32 to vector<16xi32>
      %and3A_257 = arith.andi %get3A_220, %and3A_256 : vector<16xi32>
      %add3A_258 = arith.addi %add3A_254, %and3A_257 : vector<16xi32>
      %convert_element_type3A = arith.extui %and3A_231 : vector<16xi1> to vector<16xi32>
      %reduce_sum3A = arith.constant true
      %reduce_sum3A_259 = vector.broadcast %reduce_sum3A : i1 to vector<16xi1>
      %reduce_sum3A_260 = tpu.scan <sum>, %convert_element_type3A masked %reduce_sum3A_259 : vector<16xi32>, vector<16xi1> -> vector<16xi32>
      %reduce_sum3A_261 = vector.extract %reduce_sum3A_260[15] : i32 from vector<16xi32>
      %mul3A_262 = arith.constant 128 : i32
      %mul3A_263 = arith.muli %scan3A_212, %mul3A_262 : i32
      %add3A_264 = arith.constant 16 : i32
      %add3A_265 = arith.addi %mul3A_263, %add3A_264 : i32
      %get3A_266 = arith.index_cast %add3A_265 : i32 to index
      %get3A_267 = tpu.vector_load %arg6[%get3A_266] {strides = array<i32>} : memref<8192xi32, #tpu.memory_space<vmem>>, vector<16xi32>,
      %get3A_268 = arith.index_cast %add3A_265 : i32 to index
      %get3A_269 = tpu.vector_load %arg7[%get3A_268] {strides = array<i32>} : memref<8192xi32, #tpu.memory_space<vmem>>, vector<16xi32>,
      %shift_right_arithmetic3A_270 = arith.constant 9 : i32
      %shift_right_arithmetic3A_271 = vector.broadcast %shift_right_arithmetic3A_270 : i32 to vector<16xi32>
      %shift_right_arithmetic3A_272 = arith.shrsi %get3A_267, %shift_right_arithmetic3A_271 : vector<16xi32>
      %shift_right_arithmetic3A_273 = arith.constant 9 : i32
      %shift_right_arithmetic3A_274 = vector.broadcast %shift_right_arithmetic3A_273 : i32 to vector<16xi32>
      %shift_right_arithmetic3A_275 = arith.shrsi %get3A_269, %shift_right_arithmetic3A_274 : vector<16xi32>
      %eq3A_276 = arith.cmpi eq, %shift_right_arithmetic3A_272, %shift_right_arithmetic3A_275 : vector<16xi32>
      %shift_right_arithmetic3A_277 = arith.constant 12 : i32
      %shift_right_arithmetic3A_278 = vector.broadcast %shift_right_arithmetic3A_277 : i32 to vector<16xi32>
      %shift_right_arithmetic3A_279 = arith.shrsi %get3A_267, %shift_right_arithmetic3A_278 : vector<16xi32>
      %eq3A_280 = vector.broadcast %arg0 : i32 to vector<16xi32>
      %eq3A_281 = arith.cmpi eq, %shift_right_arithmetic3A_279, %eq3A_280 : vector<16xi32>
      %and3A_282 = arith.andi %eq3A_276, %eq3A_281 : vector<16xi1>
      %shift_right_arithmetic3A_283 = arith.constant 9 : i32
      %shift_right_arithmetic3A_284 = vector.broadcast %shift_right_arithmetic3A_283 : i32 to vector<16xi32>
      %shift_right_arithmetic3A_285 = arith.shrsi %get3A_267, %shift_right_arithmetic3A_284 : vector<16xi32>
      %mul3A_286 = arith.constant 262144 : i32
      %mul3A_287 = vector.broadcast %mul3A_286 : i32 to vector<16xi32>
      %mul3A_288 = arith.muli %shift_right_arithmetic3A_285, %mul3A_287 : vector<16xi32>
      %shift_right_arithmetic3A_289 = arith.constant 7 : i32
      %shift_right_arithmetic3A_290 = vector.broadcast %shift_right_arithmetic3A_289 : i32 to vector<16xi32>
      %shift_right_arithmetic3A_291 = arith.shrsi %get3A_269, %shift_right_arithmetic3A_290 : vector<16xi32>
      %and3A_292 = arith.constant 3 : i32
      %and3A_293 = vector.broadcast %and3A_292 : i32 to vector<16xi32>
      %and3A_294 = arith.andi %shift_right_arithmetic3A_291, %and3A_293 : vector<16xi32>
      %mul3A_295 = arith.constant 65536 : i32
      %mul3A_296 = vector.broadcast %mul3A_295 : i32 to vector<16xi32>
      %mul3A_297 = arith.muli %and3A_294, %mul3A_296 : vector<16xi32>
      %add3A_298 = arith.addi %mul3A_288, %mul3A_297 : vector<16xi32>
      %and3A_299 = arith.constant 511 : i32
      %and3A_300 = vector.broadcast %and3A_299 : i32 to vector<16xi32>
      %and3A_301 = arith.andi %get3A_267, %and3A_300 : vector<16xi32>
      %mul3A_302 = arith.constant 128 : i32
      %mul3A_303 = vector.broadcast %mul3A_302 : i32 to vector<16xi32>
      %mul3A_304 = arith.muli %and3A_301, %mul3A_303 : vector<16xi32>
      %add3A_305 = arith.addi %add3A_298, %mul3A_304 : vector<16xi32>
      %and3A_306 = arith.constant 127 : i32
      %and3A_307 = vector.broadcast %and3A_306 : i32 to vector<16xi32>
      %and3A_308 = arith.andi %get3A_269, %and3A_307 : vector<16xi32>
      %add3A_309 = arith.addi %add3A_305, %and3A_308 : vector<16xi32>
      %convert_element_type3A_310 = arith.extui %and3A_282 : vector<16xi1> to vector<16xi32>
      %reduce_sum3A_311 = arith.constant true
      %reduce_sum3A_312 = vector.broadcast %reduce_sum3A_311 : i1 to vector<16xi1>
      %reduce_sum3A_313 = tpu.scan <sum>, %convert_element_type3A_310 masked %reduce_sum3A_312 : vector<16xi32>, vector<16xi1> -> vector<16xi32>
      %reduce_sum3A_314 = vector.extract %reduce_sum3A_313[15] : i32 from vector<16xi32>
      %mul3A_315 = arith.constant 128 : i32
      %mul3A_316 = arith.muli %scan3A_212, %mul3A_315 : i32
      %add3A_317 = arith.constant 32 : i32
      %add3A_318 = arith.addi %mul3A_316, %add3A_317 : i32
      %get3A_319 = arith.index_cast %add3A_318 : i32 to index
      %get3A_320 = tpu.vector_load %arg6[%get3A_319] {strides = array<i32>} : memref<8192xi32, #tpu.memory_space<vmem>>, vector<16xi32>,
      %get3A_321 = arith.index_cast %add3A_318 : i32 to index
      %get3A_322 = tpu.vector_load %arg7[%get3A_321] {strides = array<i32>} : memref<8192xi32, #tpu.memory_space<vmem>>, vector<16xi32>,
      %shift_right_arithmetic3A_323 = arith.constant 9 : i32
      %shift_right_arithmetic3A_324 = vector.broadcast %shift_right_arithmetic3A_323 : i32 to vector<16xi32>
      %shift_right_arithmetic3A_325 = arith.shrsi %get3A_320, %shift_right_arithmetic3A_324 : vector<16xi32>
      %shift_right_arithmetic3A_326 = arith.constant 9 : i32
      %shift_right_arithmetic3A_327 = vector.broadcast %shift_right_arithmetic3A_326 : i32 to vector<16xi32>
      %shift_right_arithmetic3A_328 = arith.shrsi %get3A_322, %shift_right_arithmetic3A_327 : vector<16xi32>
      %eq3A_329 = arith.cmpi eq, %shift_right_arithmetic3A_325, %shift_right_arithmetic3A_328 : vector<16xi32>
      %shift_right_arithmetic3A_330 = arith.constant 12 : i32
      %shift_right_arithmetic3A_331 = vector.broadcast %shift_right_arithmetic3A_330 : i32 to vector<16xi32>
      %shift_right_arithmetic3A_332 = arith.shrsi %get3A_320, %shift_right_arithmetic3A_331 : vector<16xi32>
      %eq3A_333 = vector.broadcast %arg0 : i32 to vector<16xi32>
      %eq3A_334 = arith.cmpi eq, %shift_right_arithmetic3A_332, %eq3A_333 : vector<16xi32>
      %and3A_335 = arith.andi %eq3A_329, %eq3A_334 : vector<16xi1>
      %shift_right_arithmetic3A_336 = arith.constant 9 : i32
      %shift_right_arithmetic3A_337 = vector.broadcast %shift_right_arithmetic3A_336 : i32 to vector<16xi32>
      %shift_right_arithmetic3A_338 = arith.shrsi %get3A_320, %shift_right_arithmetic3A_337 : vector<16xi32>
      %mul3A_339 = arith.constant 262144 : i32
      %mul3A_340 = vector.broadcast %mul3A_339 : i32 to vector<16xi32>
      %mul3A_341 = arith.muli %shift_right_arithmetic3A_338, %mul3A_340 : vector<16xi32>
      %shift_right_arithmetic3A_342 = arith.constant 7 : i32
      %shift_right_arithmetic3A_343 = vector.broadcast %shift_right_arithmetic3A_342 : i32 to vector<16xi32>
      %shift_right_arithmetic3A_344 = arith.shrsi %get3A_322, %shift_right_arithmetic3A_343 : vector<16xi32>
      %and3A_345 = arith.constant 3 : i32
      %and3A_346 = vector.broadcast %and3A_345 : i32 to vector<16xi32>
      %and3A_347 = arith.andi %shift_right_arithmetic3A_344, %and3A_346 : vector<16xi32>
      %mul3A_348 = arith.constant 65536 : i32
      %mul3A_349 = vector.broadcast %mul3A_348 : i32 to vector<16xi32>
      %mul3A_350 = arith.muli %and3A_347, %mul3A_349 : vector<16xi32>
      %add3A_351 = arith.addi %mul3A_341, %mul3A_350 : vector<16xi32>
      %and3A_352 = arith.constant 511 : i32
      %and3A_353 = vector.broadcast %and3A_352 : i32 to vector<16xi32>
      %and3A_354 = arith.andi %get3A_320, %and3A_353 : vector<16xi32>
      %mul3A_355 = arith.constant 128 : i32
      %mul3A_356 = vector.broadcast %mul3A_355 : i32 to vector<16xi32>
      %mul3A_357 = arith.muli %and3A_354, %mul3A_356 : vector<16xi32>
      %add3A_358 = arith.addi %add3A_351, %mul3A_357 : vector<16xi32>
      %and3A_359 = arith.constant 127 : i32
      %and3A_360 = vector.broadcast %and3A_359 : i32 to vector<16xi32>
      %and3A_361 = arith.andi %get3A_322, %and3A_360 : vector<16xi32>
      %add3A_362 = arith.addi %add3A_358, %and3A_361 : vector<16xi32>
      %convert_element_type3A_363 = arith.extui %and3A_335 : vector<16xi1> to vector<16xi32>
      %reduce_sum3A_364 = arith.constant true
      %reduce_sum3A_365 = vector.broadcast %reduce_sum3A_364 : i1 to vector<16xi1>
      %reduce_sum3A_366 = tpu.scan <sum>, %convert_element_type3A_363 masked %reduce_sum3A_365 : vector<16xi32>, vector<16xi1> -> vector<16xi32>
      %reduce_sum3A_367 = vector.extract %reduce_sum3A_366[15] : i32 from vector<16xi32>
      %mul3A_368 = arith.constant 128 : i32
      %mul3A_369 = arith.muli %scan3A_212, %mul3A_368 : i32
      %add3A_370 = arith.constant 48 : i32
      %add3A_371 = arith.addi %mul3A_369, %add3A_370 : i32
      %get3A_372 = arith.index_cast %add3A_371 : i32 to index
      %get3A_373 = tpu.vector_load %arg6[%get3A_372] {strides = array<i32>} : memref<8192xi32, #tpu.memory_space<vmem>>, vector<16xi32>,
      %get3A_374 = arith.index_cast %add3A_371 : i32 to index
      %get3A_375 = tpu.vector_load %arg7[%get3A_374] {strides = array<i32>} : memref<8192xi32, #tpu.memory_space<vmem>>, vector<16xi32>,
      %shift_right_arithmetic3A_376 = arith.constant 9 : i32
      %shift_right_arithmetic3A_377 = vector.broadcast %shift_right_arithmetic3A_376 : i32 to vector<16xi32>
      %shift_right_arithmetic3A_378 = arith.shrsi %get3A_373, %shift_right_arithmetic3A_377 : vector<16xi32>
      %shift_right_arithmetic3A_379 = arith.constant 9 : i32
      %shift_right_arithmetic3A_380 = vector.broadcast %shift_right_arithmetic3A_379 : i32 to vector<16xi32>
      %shift_right_arithmetic3A_381 = arith.shrsi %get3A_375, %shift_right_arithmetic3A_380 : vector<16xi32>
      %eq3A_382 = arith.cmpi eq, %shift_right_arithmetic3A_378, %shift_right_arithmetic3A_381 : vector<16xi32>
      %shift_right_arithmetic3A_383 = arith.constant 12 : i32
      %shift_right_arithmetic3A_384 = vector.broadcast %shift_right_arithmetic3A_383 : i32 to vector<16xi32>
      %shift_right_arithmetic3A_385 = arith.shrsi %get3A_373, %shift_right_arithmetic3A_384 : vector<16xi32>
      %eq3A_386 = vector.broadcast %arg0 : i32 to vector<16xi32>
      %eq3A_387 = arith.cmpi eq, %shift_right_arithmetic3A_385, %eq3A_386 : vector<16xi32>
      %and3A_388 = arith.andi %eq3A_382, %eq3A_387 : vector<16xi1>
      %shift_right_arithmetic3A_389 = arith.constant 9 : i32
      %shift_right_arithmetic3A_390 = vector.broadcast %shift_right_arithmetic3A_389 : i32 to vector<16xi32>
      %shift_right_arithmetic3A_391 = arith.shrsi %get3A_373, %shift_right_arithmetic3A_390 : vector<16xi32>
      %mul3A_392 = arith.constant 262144 : i32
      %mul3A_393 = vector.broadcast %mul3A_392 : i32 to vector<16xi32>
      %mul3A_394 = arith.muli %shift_right_arithmetic3A_391, %mul3A_393 : vector<16xi32>
      %shift_right_arithmetic3A_395 = arith.constant 7 : i32
      %shift_right_arithmetic3A_396 = vector.broadcast %shift_right_arithmetic3A_395 : i32 to vector<16xi32>
      %shift_right_arithmetic3A_397 = arith.shrsi %get3A_375, %shift_right_arithmetic3A_396 : vector<16xi32>
      %and3A_398 = arith.constant 3 : i32
      %and3A_399 = vector.broadcast %and3A_398 : i32 to vector<16xi32>
      %and3A_400 = arith.andi %shift_right_arithmetic3A_397, %and3A_399 : vector<16xi32>
      %mul3A_401 = arith.constant 65536 : i32
      %mul3A_402 = vector.broadcast %mul3A_401 : i32 to vector<16xi32>
      %mul3A_403 = arith.muli %and3A_400, %mul3A_402 : vector<16xi32>
      %add3A_404 = arith.addi %mul3A_394, %mul3A_403 : vector<16xi32>
      %and3A_405 = arith.constant 511 : i32
      %and3A_406 = vector.broadcast %and3A_405 : i32 to vector<16xi32>
      %and3A_407 = arith.andi %get3A_373, %and3A_406 : vector<16xi32>
      %mul3A_408 = arith.constant 128 : i32
      %mul3A_409 = vector.broadcast %mul3A_408 : i32 to vector<16xi32>
      %mul3A_410 = arith.muli %and3A_407, %mul3A_409 : vector<16xi32>
      %add3A_411 = arith.addi %add3A_404, %mul3A_410 : vector<16xi32>
      %and3A_412 = arith.constant 127 : i32
      %and3A_413 = vector.broadcast %and3A_412 : i32 to vector<16xi32>
      %and3A_414 = arith.andi %get3A_375, %and3A_413 : vector<16xi32>
      %add3A_415 = arith.addi %add3A_411, %and3A_414 : vector<16xi32>
      %convert_element_type3A_416 = arith.extui %and3A_388 : vector<16xi1> to vector<16xi32>
      %reduce_sum3A_417 = arith.constant true
      %reduce_sum3A_418 = vector.broadcast %reduce_sum3A_417 : i1 to vector<16xi1>
      %reduce_sum3A_419 = tpu.scan <sum>, %convert_element_type3A_416 masked %reduce_sum3A_418 : vector<16xi32>, vector<16xi1> -> vector<16xi32>
      %reduce_sum3A_420 = vector.extract %reduce_sum3A_419[15] : i32 from vector<16xi32>
      %mul3A_421 = arith.constant 128 : i32
      %mul3A_422 = arith.muli %scan3A_212, %mul3A_421 : i32
      %add3A_423 = arith.constant 64 : i32
      %add3A_424 = arith.addi %mul3A_422, %add3A_423 : i32
      %get3A_425 = arith.index_cast %add3A_424 : i32 to index
      %get3A_426 = tpu.vector_load %arg6[%get3A_425] {strides = array<i32>} : memref<8192xi32, #tpu.memory_space<vmem>>, vector<16xi32>,
      %get3A_427 = arith.index_cast %add3A_424 : i32 to index
      %get3A_428 = tpu.vector_load %arg7[%get3A_427] {strides = array<i32>} : memref<8192xi32, #tpu.memory_space<vmem>>, vector<16xi32>,
      %shift_right_arithmetic3A_429 = arith.constant 9 : i32
      %shift_right_arithmetic3A_430 = vector.broadcast %shift_right_arithmetic3A_429 : i32 to vector<16xi32>
      %shift_right_arithmetic3A_431 = arith.shrsi %get3A_426, %shift_right_arithmetic3A_430 : vector<16xi32>
      %shift_right_arithmetic3A_432 = arith.constant 9 : i32
      %shift_right_arithmetic3A_433 = vector.broadcast %shift_right_arithmetic3A_432 : i32 to vector<16xi32>
      %shift_right_arithmetic3A_434 = arith.shrsi %get3A_428, %shift_right_arithmetic3A_433 : vector<16xi32>
      %eq3A_435 = arith.cmpi eq, %shift_right_arithmetic3A_431, %shift_right_arithmetic3A_434 : vector<16xi32>
      %shift_right_arithmetic3A_436 = arith.constant 12 : i32
      %shift_right_arithmetic3A_437 = vector.broadcast %shift_right_arithmetic3A_436 : i32 to vector<16xi32>
      %shift_right_arithmetic3A_438 = arith.shrsi %get3A_426, %shift_right_arithmetic3A_437 : vector<16xi32>
      %eq3A_439 = vector.broadcast %arg0 : i32 to vector<16xi32>
      %eq3A_440 = arith.cmpi eq, %shift_right_arithmetic3A_438, %eq3A_439 : vector<16xi32>
      %and3A_441 = arith.andi %eq3A_435, %eq3A_440 : vector<16xi1>
      %shift_right_arithmetic3A_442 = arith.constant 9 : i32
      %shift_right_arithmetic3A_443 = vector.broadcast %shift_right_arithmetic3A_442 : i32 to vector<16xi32>
      %shift_right_arithmetic3A_444 = arith.shrsi %get3A_426, %shift_right_arithmetic3A_443 : vector<16xi32>
      %mul3A_445 = arith.constant 262144 : i32
      %mul3A_446 = vector.broadcast %mul3A_445 : i32 to vector<16xi32>
      %mul3A_447 = arith.muli %shift_right_arithmetic3A_444, %mul3A_446 : vector<16xi32>
      %shift_right_arithmetic3A_448 = arith.constant 7 : i32
      %shift_right_arithmetic3A_449 = vector.broadcast %shift_right_arithmetic3A_448 : i32 to vector<16xi32>
      %shift_right_arithmetic3A_450 = arith.shrsi %get3A_428, %shift_right_arithmetic3A_449 : vector<16xi32>
      %and3A_451 = arith.constant 3 : i32
      %and3A_452 = vector.broadcast %and3A_451 : i32 to vector<16xi32>
      %and3A_453 = arith.andi %shift_right_arithmetic3A_450, %and3A_452 : vector<16xi32>
      %mul3A_454 = arith.constant 65536 : i32
      %mul3A_455 = vector.broadcast %mul3A_454 : i32 to vector<16xi32>
      %mul3A_456 = arith.muli %and3A_453, %mul3A_455 : vector<16xi32>
      %add3A_457 = arith.addi %mul3A_447, %mul3A_456 : vector<16xi32>
      %and3A_458 = arith.constant 511 : i32
      %and3A_459 = vector.broadcast %and3A_458 : i32 to vector<16xi32>
      %and3A_460 = arith.andi %get3A_426, %and3A_459 : vector<16xi32>
      %mul3A_461 = arith.constant 128 : i32
      %mul3A_462 = vector.broadcast %mul3A_461 : i32 to vector<16xi32>
      %mul3A_463 = arith.muli %and3A_460, %mul3A_462 : vector<16xi32>
      %add3A_464 = arith.addi %add3A_457, %mul3A_463 : vector<16xi32>
      %and3A_465 = arith.constant 127 : i32
      %and3A_466 = vector.broadcast %and3A_465 : i32 to vector<16xi32>
      %and3A_467 = arith.andi %get3A_428, %and3A_466 : vector<16xi32>
      %add3A_468 = arith.addi %add3A_464, %and3A_467 : vector<16xi32>
      %convert_element_type3A_469 = arith.extui %and3A_441 : vector<16xi1> to vector<16xi32>
      %reduce_sum3A_470 = arith.constant true
      %reduce_sum3A_471 = vector.broadcast %reduce_sum3A_470 : i1 to vector<16xi1>
      %reduce_sum3A_472 = tpu.scan <sum>, %convert_element_type3A_469 masked %reduce_sum3A_471 : vector<16xi32>, vector<16xi1> -> vector<16xi32>
      %reduce_sum3A_473 = vector.extract %reduce_sum3A_472[15] : i32 from vector<16xi32>
      %mul3A_474 = arith.constant 128 : i32
      %mul3A_475 = arith.muli %scan3A_212, %mul3A_474 : i32
      %add3A_476 = arith.constant 80 : i32
      %add3A_477 = arith.addi %mul3A_475, %add3A_476 : i32
      %get3A_478 = arith.index_cast %add3A_477 : i32 to index
      %get3A_479 = tpu.vector_load %arg6[%get3A_478] {strides = array<i32>} : memref<8192xi32, #tpu.memory_space<vmem>>, vector<16xi32>,
      %get3A_480 = arith.index_cast %add3A_477 : i32 to index
      %get3A_481 = tpu.vector_load %arg7[%get3A_480] {strides = array<i32>} : memref<8192xi32, #tpu.memory_space<vmem>>, vector<16xi32>,
      %shift_right_arithmetic3A_482 = arith.constant 9 : i32
      %shift_right_arithmetic3A_483 = vector.broadcast %shift_right_arithmetic3A_482 : i32 to vector<16xi32>
      %shift_right_arithmetic3A_484 = arith.shrsi %get3A_479, %shift_right_arithmetic3A_483 : vector<16xi32>
      %shift_right_arithmetic3A_485 = arith.constant 9 : i32
      %shift_right_arithmetic3A_486 = vector.broadcast %shift_right_arithmetic3A_485 : i32 to vector<16xi32>
      %shift_right_arithmetic3A_487 = arith.shrsi %get3A_481, %shift_right_arithmetic3A_486 : vector<16xi32>
      %eq3A_488 = arith.cmpi eq, %shift_right_arithmetic3A_484, %shift_right_arithmetic3A_487 : vector<16xi32>
      %shift_right_arithmetic3A_489 = arith.constant 12 : i32
      %shift_right_arithmetic3A_490 = vector.broadcast %shift_right_arithmetic3A_489 : i32 to vector<16xi32>
      %shift_right_arithmetic3A_491 = arith.shrsi %get3A_479, %shift_right_arithmetic3A_490 : vector<16xi32>
      %eq3A_492 = vector.broadcast %arg0 : i32 to vector<16xi32>
      %eq3A_493 = arith.cmpi eq, %shift_right_arithmetic3A_491, %eq3A_492 : vector<16xi32>
      %and3A_494 = arith.andi %eq3A_488, %eq3A_493 : vector<16xi1>
      %shift_right_arithmetic3A_495 = arith.constant 9 : i32
      %shift_right_arithmetic3A_496 = vector.broadcast %shift_right_arithmetic3A_495 : i32 to vector<16xi32>
      %shift_right_arithmetic3A_497 = arith.shrsi %get3A_479, %shift_right_arithmetic3A_496 : vector<16xi32>
      %mul3A_498 = arith.constant 262144 : i32
      %mul3A_499 = vector.broadcast %mul3A_498 : i32 to vector<16xi32>
      %mul3A_500 = arith.muli %shift_right_arithmetic3A_497, %mul3A_499 : vector<16xi32>
      %shift_right_arithmetic3A_501 = arith.constant 7 : i32
      %shift_right_arithmetic3A_502 = vector.broadcast %shift_right_arithmetic3A_501 : i32 to vector<16xi32>
      %shift_right_arithmetic3A_503 = arith.shrsi %get3A_481, %shift_right_arithmetic3A_502 : vector<16xi32>
      %and3A_504 = arith.constant 3 : i32
      %and3A_505 = vector.broadcast %and3A_504 : i32 to vector<16xi32>
      %and3A_506 = arith.andi %shift_right_arithmetic3A_503, %and3A_505 : vector<16xi32>
      %mul3A_507 = arith.constant 65536 : i32
      %mul3A_508 = vector.broadcast %mul3A_507 : i32 to vector<16xi32>
      %mul3A_509 = arith.muli %and3A_506, %mul3A_508 : vector<16xi32>
      %add3A_510 = arith.addi %mul3A_500, %mul3A_509 : vector<16xi32>
      %and3A_511 = arith.constant 511 : i32
      %and3A_512 = vector.broadcast %and3A_511 : i32 to vector<16xi32>
      %and3A_513 = arith.andi %get3A_479, %and3A_512 : vector<16xi32>
      %mul3A_514 = arith.constant 128 : i32
      %mul3A_515 = vector.broadcast %mul3A_514 : i32 to vector<16xi32>
      %mul3A_516 = arith.muli %and3A_513, %mul3A_515 : vector<16xi32>
      %add3A_517 = arith.addi %add3A_510, %mul3A_516 : vector<16xi32>
      %and3A_518 = arith.constant 127 : i32
      %and3A_519 = vector.broadcast %and3A_518 : i32 to vector<16xi32>
      %and3A_520 = arith.andi %get3A_481, %and3A_519 : vector<16xi32>
      %add3A_521 = arith.addi %add3A_517, %and3A_520 : vector<16xi32>
      %convert_element_type3A_522 = arith.extui %and3A_494 : vector<16xi1> to vector<16xi32>
      %reduce_sum3A_523 = arith.constant true
      %reduce_sum3A_524 = vector.broadcast %reduce_sum3A_523 : i1 to vector<16xi1>
      %reduce_sum3A_525 = tpu.scan <sum>, %convert_element_type3A_522 masked %reduce_sum3A_524 : vector<16xi32>, vector<16xi1> -> vector<16xi32>
      %reduce_sum3A_526 = vector.extract %reduce_sum3A_525[15] : i32 from vector<16xi32>
      %mul3A_527 = arith.constant 128 : i32
      %mul3A_528 = arith.muli %scan3A_212, %mul3A_527 : i32
      %add3A_529 = arith.constant 96 : i32
      %add3A_530 = arith.addi %mul3A_528, %add3A_529 : i32
      %get3A_531 = arith.index_cast %add3A_530 : i32 to index
      %get3A_532 = tpu.vector_load %arg6[%get3A_531] {strides = array<i32>} : memref<8192xi32, #tpu.memory_space<vmem>>, vector<16xi32>,
      %get3A_533 = arith.index_cast %add3A_530 : i32 to index
      %get3A_534 = tpu.vector_load %arg7[%get3A_533] {strides = array<i32>} : memref<8192xi32, #tpu.memory_space<vmem>>, vector<16xi32>,
      %shift_right_arithmetic3A_535 = arith.constant 9 : i32
      %shift_right_arithmetic3A_536 = vector.broadcast %shift_right_arithmetic3A_535 : i32 to vector<16xi32>
      %shift_right_arithmetic3A_537 = arith.shrsi %get3A_532, %shift_right_arithmetic3A_536 : vector<16xi32>
      %shift_right_arithmetic3A_538 = arith.constant 9 : i32
      %shift_right_arithmetic3A_539 = vector.broadcast %shift_right_arithmetic3A_538 : i32 to vector<16xi32>
      %shift_right_arithmetic3A_540 = arith.shrsi %get3A_534, %shift_right_arithmetic3A_539 : vector<16xi32>
      %eq3A_541 = arith.cmpi eq, %shift_right_arithmetic3A_537, %shift_right_arithmetic3A_540 : vector<16xi32>
      %shift_right_arithmetic3A_542 = arith.constant 12 : i32
      %shift_right_arithmetic3A_543 = vector.broadcast %shift_right_arithmetic3A_542 : i32 to vector<16xi32>
      %shift_right_arithmetic3A_544 = arith.shrsi %get3A_532, %shift_right_arithmetic3A_543 : vector<16xi32>
      %eq3A_545 = vector.broadcast %arg0 : i32 to vector<16xi32>
      %eq3A_546 = arith.cmpi eq, %shift_right_arithmetic3A_544, %eq3A_545 : vector<16xi32>
      %and3A_547 = arith.andi %eq3A_541, %eq3A_546 : vector<16xi1>
      %shift_right_arithmetic3A_548 = arith.constant 9 : i32
      %shift_right_arithmetic3A_549 = vector.broadcast %shift_right_arithmetic3A_548 : i32 to vector<16xi32>
      %shift_right_arithmetic3A_550 = arith.shrsi %get3A_532, %shift_right_arithmetic3A_549 : vector<16xi32>
      %mul3A_551 = arith.constant 262144 : i32
      %mul3A_552 = vector.broadcast %mul3A_551 : i32 to vector<16xi32>
      %mul3A_553 = arith.muli %shift_right_arithmetic3A_550, %mul3A_552 : vector<16xi32>
      %shift_right_arithmetic3A_554 = arith.constant 7 : i32
      %shift_right_arithmetic3A_555 = vector.broadcast %shift_right_arithmetic3A_554 : i32 to vector<16xi32>
      %shift_right_arithmetic3A_556 = arith.shrsi %get3A_534, %shift_right_arithmetic3A_555 : vector<16xi32>
      %and3A_557 = arith.constant 3 : i32
      %and3A_558 = vector.broadcast %and3A_557 : i32 to vector<16xi32>
      %and3A_559 = arith.andi %shift_right_arithmetic3A_556, %and3A_558 : vector<16xi32>
      %mul3A_560 = arith.constant 65536 : i32
      %mul3A_561 = vector.broadcast %mul3A_560 : i32 to vector<16xi32>
      %mul3A_562 = arith.muli %and3A_559, %mul3A_561 : vector<16xi32>
      %add3A_563 = arith.addi %mul3A_553, %mul3A_562 : vector<16xi32>
      %and3A_564 = arith.constant 511 : i32
      %and3A_565 = vector.broadcast %and3A_564 : i32 to vector<16xi32>
      %and3A_566 = arith.andi %get3A_532, %and3A_565 : vector<16xi32>
      %mul3A_567 = arith.constant 128 : i32
      %mul3A_568 = vector.broadcast %mul3A_567 : i32 to vector<16xi32>
      %mul3A_569 = arith.muli %and3A_566, %mul3A_568 : vector<16xi32>
      %add3A_570 = arith.addi %add3A_563, %mul3A_569 : vector<16xi32>
      %and3A_571 = arith.constant 127 : i32
      %and3A_572 = vector.broadcast %and3A_571 : i32 to vector<16xi32>
      %and3A_573 = arith.andi %get3A_534, %and3A_572 : vector<16xi32>
      %add3A_574 = arith.addi %add3A_570, %and3A_573 : vector<16xi32>
      %convert_element_type3A_575 = arith.extui %and3A_547 : vector<16xi1> to vector<16xi32>
      %reduce_sum3A_576 = arith.constant true
      %reduce_sum3A_577 = vector.broadcast %reduce_sum3A_576 : i1 to vector<16xi1>
      %reduce_sum3A_578 = tpu.scan <sum>, %convert_element_type3A_575 masked %reduce_sum3A_577 : vector<16xi32>, vector<16xi1> -> vector<16xi32>
      %reduce_sum3A_579 = vector.extract %reduce_sum3A_578[15] : i32 from vector<16xi32>
      %mul3A_580 = arith.constant 128 : i32
      %mul3A_581 = arith.muli %scan3A_212, %mul3A_580 : i32
      %add3A_582 = arith.constant 112 : i32
      %add3A_583 = arith.addi %mul3A_581, %add3A_582 : i32
      %get3A_584 = arith.index_cast %add3A_583 : i32 to index
      %get3A_585 = tpu.vector_load %arg6[%get3A_584] {strides = array<i32>} : memref<8192xi32, #tpu.memory_space<vmem>>, vector<16xi32>,
      %get3A_586 = arith.index_cast %add3A_583 : i32 to index
      %get3A_587 = tpu.vector_load %arg7[%get3A_586] {strides = array<i32>} : memref<8192xi32, #tpu.memory_space<vmem>>, vector<16xi32>,
      %shift_right_arithmetic3A_588 = arith.constant 9 : i32
      %shift_right_arithmetic3A_589 = vector.broadcast %shift_right_arithmetic3A_588 : i32 to vector<16xi32>
      %shift_right_arithmetic3A_590 = arith.shrsi %get3A_585, %shift_right_arithmetic3A_589 : vector<16xi32>
      %shift_right_arithmetic3A_591 = arith.constant 9 : i32
      %shift_right_arithmetic3A_592 = vector.broadcast %shift_right_arithmetic3A_591 : i32 to vector<16xi32>
      %shift_right_arithmetic3A_593 = arith.shrsi %get3A_587, %shift_right_arithmetic3A_592 : vector<16xi32>
      %eq3A_594 = arith.cmpi eq, %shift_right_arithmetic3A_590, %shift_right_arithmetic3A_593 : vector<16xi32>
      %shift_right_arithmetic3A_595 = arith.constant 12 : i32
      %shift_right_arithmetic3A_596 = vector.broadcast %shift_right_arithmetic3A_595 : i32 to vector<16xi32>
      %shift_right_arithmetic3A_597 = arith.shrsi %get3A_585, %shift_right_arithmetic3A_596 : vector<16xi32>
      %eq3A_598 = vector.broadcast %arg0 : i32 to vector<16xi32>
      %eq3A_599 = arith.cmpi eq, %shift_right_arithmetic3A_597, %eq3A_598 : vector<16xi32>
      %and3A_600 = arith.andi %eq3A_594, %eq3A_599 : vector<16xi1>
      %shift_right_arithmetic3A_601 = arith.constant 9 : i32
      %shift_right_arithmetic3A_602 = vector.broadcast %shift_right_arithmetic3A_601 : i32 to vector<16xi32>
      %shift_right_arithmetic3A_603 = arith.shrsi %get3A_585, %shift_right_arithmetic3A_602 : vector<16xi32>
      %mul3A_604 = arith.constant 262144 : i32
      %mul3A_605 = vector.broadcast %mul3A_604 : i32 to vector<16xi32>
      %mul3A_606 = arith.muli %shift_right_arithmetic3A_603, %mul3A_605 : vector<16xi32>
      %shift_right_arithmetic3A_607 = arith.constant 7 : i32
      %shift_right_arithmetic3A_608 = vector.broadcast %shift_right_arithmetic3A_607 : i32 to vector<16xi32>
      %shift_right_arithmetic3A_609 = arith.shrsi %get3A_587, %shift_right_arithmetic3A_608 : vector<16xi32>
      %and3A_610 = arith.constant 3 : i32
      %and3A_611 = vector.broadcast %and3A_610 : i32 to vector<16xi32>
      %and3A_612 = arith.andi %shift_right_arithmetic3A_609, %and3A_611 : vector<16xi32>
      %mul3A_613 = arith.constant 65536 : i32
      %mul3A_614 = vector.broadcast %mul3A_613 : i32 to vector<16xi32>
      %mul3A_615 = arith.muli %and3A_612, %mul3A_614 : vector<16xi32>
      %add3A_616 = arith.addi %mul3A_606, %mul3A_615 : vector<16xi32>
      %and3A_617 = arith.constant 511 : i32
      %and3A_618 = vector.broadcast %and3A_617 : i32 to vector<16xi32>
      %and3A_619 = arith.andi %get3A_585, %and3A_618 : vector<16xi32>
      %mul3A_620 = arith.constant 128 : i32
      %mul3A_621 = vector.broadcast %mul3A_620 : i32 to vector<16xi32>
      %mul3A_622 = arith.muli %and3A_619, %mul3A_621 : vector<16xi32>
      %add3A_623 = arith.addi %add3A_616, %mul3A_622 : vector<16xi32>
      %and3A_624 = arith.constant 127 : i32
      %and3A_625 = vector.broadcast %and3A_624 : i32 to vector<16xi32>
      %and3A_626 = arith.andi %get3A_587, %and3A_625 : vector<16xi32>
      %add3A_627 = arith.addi %add3A_623, %and3A_626 : vector<16xi32>
      %convert_element_type3A_628 = arith.extui %and3A_600 : vector<16xi1> to vector<16xi32>
      %reduce_sum3A_629 = arith.constant true
      %reduce_sum3A_630 = vector.broadcast %reduce_sum3A_629 : i1 to vector<16xi1>
      %reduce_sum3A_631 = tpu.scan <sum>, %convert_element_type3A_628 masked %reduce_sum3A_630 : vector<16xi32>, vector<16xi1> -> vector<16xi32>
      %reduce_sum3A_632 = vector.extract %reduce_sum3A_631[15] : i32 from vector<16xi32>
      %swap3A = arith.index_cast %scan3A_213 : i32 to index
      %swap3A_633 = tpu.vector_load %arg8[%swap3A] masked %and3A_231 {strides = array<i32>} : memref<8208xi32, #tpu.memory_space<vmem>>, vector<16xi32>, vector<16xi1>
      tpu.vector_store %arg8[%swap3A], %add3A_258 masked %and3A_231 {strides = array<i32>} : memref<8208xi32, #tpu.memory_space<vmem>>, vector<16xi32>, vector<16xi1>
      %add3A_634 = arith.addi %scan3A_213, %reduce_sum3A_261 : i32
      %swap3A_635 = arith.index_cast %add3A_634 : i32 to index
      %swap3A_636 = tpu.vector_load %arg8[%swap3A_635] masked %and3A_282 {strides = array<i32>} : memref<8208xi32, #tpu.memory_space<vmem>>, vector<16xi32>, vector<16xi1>
      tpu.vector_store %arg8[%swap3A_635], %add3A_309 masked %and3A_282 {strides = array<i32>} : memref<8208xi32, #tpu.memory_space<vmem>>, vector<16xi32>, vector<16xi1>
      %add3A_637 = arith.addi %add3A_634, %reduce_sum3A_314 : i32
      %swap3A_638 = arith.index_cast %add3A_637 : i32 to index
      %swap3A_639 = tpu.vector_load %arg8[%swap3A_638] masked %and3A_335 {strides = array<i32>} : memref<8208xi32, #tpu.memory_space<vmem>>, vector<16xi32>, vector<16xi1>
      tpu.vector_store %arg8[%swap3A_638], %add3A_362 masked %and3A_335 {strides = array<i32>} : memref<8208xi32, #tpu.memory_space<vmem>>, vector<16xi32>, vector<16xi1>
      %add3A_640 = arith.addi %add3A_637, %reduce_sum3A_367 : i32
      %swap3A_641 = arith.index_cast %add3A_640 : i32 to index
      %swap3A_642 = tpu.vector_load %arg8[%swap3A_641] masked %and3A_388 {strides = array<i32>} : memref<8208xi32, #tpu.memory_space<vmem>>, vector<16xi32>, vector<16xi1>
      tpu.vector_store %arg8[%swap3A_641], %add3A_415 masked %and3A_388 {strides = array<i32>} : memref<8208xi32, #tpu.memory_space<vmem>>, vector<16xi32>, vector<16xi1>
      %add3A_643 = arith.addi %add3A_640, %reduce_sum3A_420 : i32
      %swap3A_644 = arith.index_cast %add3A_643 : i32 to index
      %swap3A_645 = tpu.vector_load %arg8[%swap3A_644] masked %and3A_441 {strides = array<i32>} : memref<8208xi32, #tpu.memory_space<vmem>>, vector<16xi32>, vector<16xi1>
      tpu.vector_store %arg8[%swap3A_644], %add3A_468 masked %and3A_441 {strides = array<i32>} : memref<8208xi32, #tpu.memory_space<vmem>>, vector<16xi32>, vector<16xi1>
      %add3A_646 = arith.addi %add3A_643, %reduce_sum3A_473 : i32
      %swap3A_647 = arith.index_cast %add3A_646 : i32 to index
      %swap3A_648 = tpu.vector_load %arg8[%swap3A_647] masked %and3A_494 {strides = array<i32>} : memref<8208xi32, #tpu.memory_space<vmem>>, vector<16xi32>, vector<16xi1>
      tpu.vector_store %arg8[%swap3A_647], %add3A_521 masked %and3A_494 {strides = array<i32>} : memref<8208xi32, #tpu.memory_space<vmem>>, vector<16xi32>, vector<16xi1>
      %add3A_649 = arith.addi %add3A_646, %reduce_sum3A_526 : i32
      %swap3A_650 = arith.index_cast %add3A_649 : i32 to index
      %swap3A_651 = tpu.vector_load %arg8[%swap3A_650] masked %and3A_547 {strides = array<i32>} : memref<8208xi32, #tpu.memory_space<vmem>>, vector<16xi32>, vector<16xi1>
      tpu.vector_store %arg8[%swap3A_650], %add3A_574 masked %and3A_547 {strides = array<i32>} : memref<8208xi32, #tpu.memory_space<vmem>>, vector<16xi32>, vector<16xi1>
      %add3A_652 = arith.addi %add3A_649, %reduce_sum3A_579 : i32
      %swap3A_653 = arith.index_cast %add3A_652 : i32 to index
      %swap3A_654 = tpu.vector_load %arg8[%swap3A_653] masked %and3A_600 {strides = array<i32>} : memref<8208xi32, #tpu.memory_space<vmem>>, vector<16xi32>, vector<16xi1>
      tpu.vector_store %arg8[%swap3A_653], %add3A_627 masked %and3A_600 {strides = array<i32>} : memref<8208xi32, #tpu.memory_space<vmem>>, vector<16xi32>, vector<16xi1>
      %add3A_655 = arith.addi %add3A_652, %reduce_sum3A_632 : i32
      scf.yield %add3A_655 : i32
    }
    %scan3A_103 = arith.constant 64 : i32
    "tpu.trace_stop"() : () -> ()
    %add3A_104 = arith.constant 127 : i32
    %add3A_105 = arith.addi %scan3A_102, %add3A_104 : i32
    %jit3A = arith.constant 128 : i32
    %div3A = arith.divsi %add3A_105, %jit3A : i32
    %sign3A = arith.constant 0 : i32
    %sign3A_106 = arith.cmpi sgt, %add3A_105, %sign3A : i32
    %sign3A_107 = arith.extui %sign3A_106 : i1 to i32
    %sign3A_108 = arith.constant 0 : i32
    %sign3A_109 = arith.cmpi slt, %add3A_105, %sign3A_108 : i32
    %sign3A_110 = arith.extui %sign3A_109 : i1 to i32
    %sign3A_111 = arith.subi %sign3A_107, %sign3A_110 : i32
    %sign3A_112 = arith.constant 0 : i32
    %sign3A_113 = arith.cmpi sgt, %jit3A, %sign3A_112 : i32
    %sign3A_114 = arith.extui %sign3A_113 : i1 to i32
    %sign3A_115 = arith.constant 0 : i32
    %sign3A_116 = arith.cmpi slt, %jit3A, %sign3A_115 : i32
    %sign3A_117 = arith.extui %sign3A_116 : i1 to i32
    %sign3A_118 = arith.subi %sign3A_114, %sign3A_117 : i32
    %ne3A = arith.cmpi ne, %sign3A_111, %sign3A_118 : i32
    %rem3A = arith.remsi %add3A_105, %jit3A : i32
    %ne3A_119 = arith.constant 0 : i32
    %ne3A_120 = arith.cmpi ne, %rem3A, %ne3A_119 : i32
    %and3A = arith.andi %ne3A, %ne3A_120 : i1
    %sub3A = arith.constant 1 : i32
    %sub3A_121 = arith.subi %div3A, %sub3A : i32
    %select_n3A = arith.select %and3A, %sub3A_121, %div3A : i32
    %broadcast_in_dim3A_122 = arith.constant 0 : i32
    %broadcast_in_dim3A_123 = vector.broadcast %broadcast_in_dim3A_122 : i32 to vector<16xi32>
    %gather3A = tpu.vector_load_idx %arg8[%broadcast_in_dim3A_123] : memref<8208xi32, #tpu.memory_space<vmem>>[vector<16xi32>], vector<16xi32>,
    %jit3A_124 = arith.constant 16 : i32
    "tpu.trace_start"() <{level = 10 : i32, message = "tailfill"}> : () -> ()
    %div3A_125 = arith.divsi %scan3A_102, %jit3A_124 : i32
    %sign3A_126 = arith.constant 0 : i32
    %sign3A_127 = arith.cmpi sgt, %scan3A_102, %sign3A_126 : i32
    %sign3A_128 = arith.extui %sign3A_127 : i1 to i32
    %sign3A_129 = arith.constant 0 : i32
    %sign3A_130 = arith.cmpi slt, %scan3A_102, %sign3A_129 : i32
    %sign3A_131 = arith.extui %sign3A_130 : i1 to i32
    %sign3A_132 = arith.subi %sign3A_128, %sign3A_131 : i32
    %sign3A_133 = arith.constant 0 : i32
    %sign3A_134 = arith.cmpi sgt, %jit3A_124, %sign3A_133 : i32
    %sign3A_135 = arith.extui %sign3A_134 : i1 to i32
    %sign3A_136 = arith.constant 0 : i32
    %sign3A_137 = arith.cmpi slt, %jit3A_124, %sign3A_136 : i32
    %sign3A_138 = arith.extui %sign3A_137 : i1 to i32
    %sign3A_139 = arith.subi %sign3A_135, %sign3A_138 : i32
    %ne3A_140 = arith.cmpi ne, %sign3A_132, %sign3A_139 : i32
    %rem3A_141 = arith.remsi %scan3A_102, %jit3A_124 : i32
    %ne3A_142 = arith.constant 0 : i32
    %ne3A_143 = arith.cmpi ne, %rem3A_141, %ne3A_142 : i32
    %and3A_144 = arith.andi %ne3A_140, %ne3A_143 : i1
    %sub3A_145 = arith.constant 1 : i32
    %sub3A_146 = arith.subi %div3A_125, %sub3A_145 : i32
    %select_n3A_147 = arith.select %and3A_144, %sub3A_146, %div3A_125 : i32
    %mul3A_148 = arith.constant 8 : i32
    %mul3A_149 = arith.muli %select_n3A, %mul3A_148 : i32
    %while3A = arith.constant 0 : i32
    %while3A_150 = arith.subi %mul3A_149, %select_n3A_147 : i32
    %while3A_151 = arith.addi %select_n3A_147, %while3A_150 : i32
    %while3A_152 = arith.constant 1 : i32
    %while3A_153 = arith.divsi %while3A_150, %while3A_152 : i32
    %while3A_154 = arith.muli %while3A_153, %while3A_152 : i32
    %while3A_155 = arith.addi %select_n3A_147, %while3A_154 : i32
    %while3A_156 = arith.constant 1 : i32
    scf.for %while3A_212 = %select_n3A_147 to %while3A_155 step %while3A_156  : i32 {
      %mul3A_213 = arith.constant 16 : i32
      %mul3A_214 = arith.muli %while3A_212, %mul3A_213 : i32
      %mul3A_215 = arith.constant 16 : i32
      %mul3A_216 = arith.muli %while3A_212, %mul3A_215 : i32
      %iota3A = tpu.iota {dimensions = array<i32: 0>} : vector<16xi32>
      %add3A_217 = vector.broadcast %mul3A_216 : i32 to vector<16xi32>
      %add3A_218 = arith.addi %add3A_217, %iota3A : vector<16xi32>
      %get3A = arith.index_cast %mul3A_214 : i32 to index
      %get3A_219 = tpu.vector_load %arg8[%get3A] {strides = array<i32>} : memref<8208xi32, #tpu.memory_space<vmem>>, vector<16xi32>,
      %ge3A = vector.broadcast %scan3A_102 : i32 to vector<16xi32>
      %ge3A_220 = arith.cmpi sge, %add3A_218, %ge3A : vector<16xi32>
      %select_n3A_221 = arith.select %ge3A_220, %gather3A, %get3A_219 : vector<16xi1>, vector<16xi32>
      %swap3A = arith.index_cast %mul3A_214 : i32 to index
      %swap3A_222 = tpu.vector_load %arg8[%swap3A] {strides = array<i32>} : memref<8208xi32, #tpu.memory_space<vmem>>, vector<16xi32>,
      tpu.vector_store %arg8[%swap3A], %select_n3A_221 {strides = array<i32>} : memref<8208xi32, #tpu.memory_space<vmem>>, vector<16xi32>,
    }
    %while3A_157 = arith.constant 1 : i32
    scf.for %while3A_212 = %while3A_155 to %while3A_151 step %while3A_157  : i32 {
      %mul3A_213 = arith.constant 16 : i32
      %mul3A_214 = arith.muli %while3A_212, %mul3A_213 : i32
      %mul3A_215 = arith.constant 16 : i32
      %mul3A_216 = arith.muli %while3A_212, %mul3A_215 : i32
      %iota3A = tpu.iota {dimensions = array<i32: 0>} : vector<16xi32>
      %add3A_217 = vector.broadcast %mul3A_216 : i32 to vector<16xi32>
      %add3A_218 = arith.addi %add3A_217, %iota3A : vector<16xi32>
      %get3A = arith.index_cast %mul3A_214 : i32 to index
      %get3A_219 = tpu.vector_load %arg8[%get3A] {strides = array<i32>} : memref<8208xi32, #tpu.memory_space<vmem>>, vector<16xi32>,
      %ge3A = vector.broadcast %scan3A_102 : i32 to vector<16xi32>
      %ge3A_220 = arith.cmpi sge, %add3A_218, %ge3A : vector<16xi32>
      %select_n3A_221 = arith.select %ge3A_220, %gather3A, %get3A_219 : vector<16xi1>, vector<16xi32>
      %swap3A = arith.index_cast %mul3A_214 : i32 to index
      %swap3A_222 = tpu.vector_load %arg8[%swap3A] {strides = array<i32>} : memref<8208xi32, #tpu.memory_space<vmem>>, vector<16xi32>,
      tpu.vector_store %arg8[%swap3A], %select_n3A_221 {strides = array<i32>} : memref<8208xi32, #tpu.memory_space<vmem>>, vector<16xi32>,
    }
    "tpu.trace_stop"() : () -> ()
    "tpu.trace_start"() <{level = 10 : i32, message = "copywin"}> : () -> ()
    %mul3A_158 = arith.constant 8 : i32
    %mul3A_159 = arith.muli %select_n3A, %mul3A_158 : i32
    %while3A_160 = arith.constant 0 : i32
    %while3A_161 = arith.constant 0 : i32
    %while3A_162 = arith.subi %mul3A_159, %while3A_161 : i32
    %while3A_163 = arith.addi %while3A_161, %while3A_162 : i32
    %while3A_164 = arith.constant 1 : i32
    %while3A_165 = arith.divsi %while3A_162, %while3A_164 : i32
    %while3A_166 = arith.muli %while3A_165, %while3A_164 : i32
    %while3A_167 = arith.addi %while3A_161, %while3A_166 : i32
    %while3A_168 = arith.constant 1 : i32
    scf.for %while3A_212 = %while3A_161 to %while3A_167 step %while3A_168  : i32 {
      %mul3A_213 = arith.constant 16 : i32
      %mul3A_214 = arith.muli %while3A_212, %mul3A_213 : i32
      %get3A = arith.index_cast %mul3A_214 : i32 to index
      %get3A_215 = tpu.vector_load %arg8[%get3A] {strides = array<i32>} : memref<8208xi32, #tpu.memory_space<vmem>>, vector<16xi32>,
      %jit3A_216 = arith.constant 8 : i32
      %div3A_217 = arith.divsi %while3A_212, %jit3A_216 : i32
      %sign3A_218 = arith.constant 0 : i32
      %sign3A_219 = arith.cmpi sgt, %while3A_212, %sign3A_218 : i32
      %sign3A_220 = arith.extui %sign3A_219 : i1 to i32
      %sign3A_221 = arith.constant 0 : i32
      %sign3A_222 = arith.cmpi slt, %while3A_212, %sign3A_221 : i32
      %sign3A_223 = arith.extui %sign3A_222 : i1 to i32
      %sign3A_224 = arith.subi %sign3A_220, %sign3A_223 : i32
      %sign3A_225 = arith.constant 0 : i32
      %sign3A_226 = arith.cmpi sgt, %jit3A_216, %sign3A_225 : i32
      %sign3A_227 = arith.extui %sign3A_226 : i1 to i32
      %sign3A_228 = arith.constant 0 : i32
      %sign3A_229 = arith.cmpi slt, %jit3A_216, %sign3A_228 : i32
      %sign3A_230 = arith.extui %sign3A_229 : i1 to i32
      %sign3A_231 = arith.subi %sign3A_227, %sign3A_230 : i32
      %ne3A_232 = arith.cmpi ne, %sign3A_224, %sign3A_231 : i32
      %rem3A_233 = arith.remsi %while3A_212, %jit3A_216 : i32
      %ne3A_234 = arith.constant 0 : i32
      %ne3A_235 = arith.cmpi ne, %rem3A_233, %ne3A_234 : i32
      %and3A_236 = arith.andi %ne3A_232, %ne3A_235 : i1
      %sub3A_237 = arith.constant 1 : i32
      %sub3A_238 = arith.subi %div3A_217, %sub3A_237 : i32
      %select_n3A_239 = arith.select %and3A_236, %sub3A_238, %div3A_217 : i32
      %jit3A_240 = arith.constant 8 : i32
      %eq3A = arith.constant 0 : i32
      %eq3A_241 = arith.cmpi eq, %jit3A_240, %eq3A : i32
      %jit3A_242 = arith.constant 1 : i32
      %select_n3A_243 = arith.select %eq3A_241, %jit3A_242, %jit3A_240 : i32
      %rem3A_244 = arith.remsi %while3A_212, %select_n3A_243 : i32
      %ne3A_245 = arith.constant 0 : i32
      %ne3A_246 = arith.cmpi ne, %rem3A_244, %ne3A_245 : i32
      %lt3A = arith.constant 0 : i32
      %lt3A_247 = arith.cmpi slt, %rem3A_244, %lt3A : i32
      %lt3A_248 = arith.constant 0 : i32
      %lt3A_249 = arith.cmpi slt, %select_n3A_243, %lt3A_248 : i32
      %ne3A_250 = arith.xori %lt3A_247, %lt3A_249 : i1
      %and3A_251 = arith.andi %ne3A_250, %ne3A_246 : i1
      %add3A_252 = arith.addi %rem3A_244, %select_n3A_243 : i32
      %select_n3A_253 = arith.select %and3A_251, %add3A_252, %rem3A_244 : i32
      %mul3A_254 = arith.constant 16 : i32
      %mul3A_255 = arith.muli %select_n3A_253, %mul3A_254 : i32
      %swap3A = arith.index_cast %select_n3A_239 : i32 to index
      %swap3A_256 = arith.index_cast %mul3A_255 : i32 to index
      %swap3A_257 = tpu.vector_load %arg9[%swap3A, %swap3A_256] {strides = array<i32>} : memref<64x128xi32, #tpu.memory_space<vmem>>, vector<16xi32>,
      tpu.vector_store %arg9[%swap3A, %swap3A_256], %get3A_215 {strides = array<i32>} : memref<64x128xi32, #tpu.memory_space<vmem>>, vector<16xi32>,
    }
    %while3A_169 = arith.constant 1 : i32
    scf.for %while3A_212 = %while3A_167 to %while3A_163 step %while3A_169  : i32 {
      %mul3A_213 = arith.constant 16 : i32
      %mul3A_214 = arith.muli %while3A_212, %mul3A_213 : i32
      %get3A = arith.index_cast %mul3A_214 : i32 to index
      %get3A_215 = tpu.vector_load %arg8[%get3A] {strides = array<i32>} : memref<8208xi32, #tpu.memory_space<vmem>>, vector<16xi32>,
      %jit3A_216 = arith.constant 8 : i32
      %div3A_217 = arith.divsi %while3A_212, %jit3A_216 : i32
      %sign3A_218 = arith.constant 0 : i32
      %sign3A_219 = arith.cmpi sgt, %while3A_212, %sign3A_218 : i32
      %sign3A_220 = arith.extui %sign3A_219 : i1 to i32
      %sign3A_221 = arith.constant 0 : i32
      %sign3A_222 = arith.cmpi slt, %while3A_212, %sign3A_221 : i32
      %sign3A_223 = arith.extui %sign3A_222 : i1 to i32
      %sign3A_224 = arith.subi %sign3A_220, %sign3A_223 : i32
      %sign3A_225 = arith.constant 0 : i32
      %sign3A_226 = arith.cmpi sgt, %jit3A_216, %sign3A_225 : i32
      %sign3A_227 = arith.extui %sign3A_226 : i1 to i32
      %sign3A_228 = arith.constant 0 : i32
      %sign3A_229 = arith.cmpi slt, %jit3A_216, %sign3A_228 : i32
      %sign3A_230 = arith.extui %sign3A_229 : i1 to i32
      %sign3A_231 = arith.subi %sign3A_227, %sign3A_230 : i32
      %ne3A_232 = arith.cmpi ne, %sign3A_224, %sign3A_231 : i32
      %rem3A_233 = arith.remsi %while3A_212, %jit3A_216 : i32
      %ne3A_234 = arith.constant 0 : i32
      %ne3A_235 = arith.cmpi ne, %rem3A_233, %ne3A_234 : i32
      %and3A_236 = arith.andi %ne3A_232, %ne3A_235 : i1
      %sub3A_237 = arith.constant 1 : i32
      %sub3A_238 = arith.subi %div3A_217, %sub3A_237 : i32
      %select_n3A_239 = arith.select %and3A_236, %sub3A_238, %div3A_217 : i32
      %jit3A_240 = arith.constant 8 : i32
      %eq3A = arith.constant 0 : i32
      %eq3A_241 = arith.cmpi eq, %jit3A_240, %eq3A : i32
      %jit3A_242 = arith.constant 1 : i32
      %select_n3A_243 = arith.select %eq3A_241, %jit3A_242, %jit3A_240 : i32
      %rem3A_244 = arith.remsi %while3A_212, %select_n3A_243 : i32
      %ne3A_245 = arith.constant 0 : i32
      %ne3A_246 = arith.cmpi ne, %rem3A_244, %ne3A_245 : i32
      %lt3A = arith.constant 0 : i32
      %lt3A_247 = arith.cmpi slt, %rem3A_244, %lt3A : i32
      %lt3A_248 = arith.constant 0 : i32
      %lt3A_249 = arith.cmpi slt, %select_n3A_243, %lt3A_248 : i32
      %ne3A_250 = arith.xori %lt3A_247, %lt3A_249 : i1
      %and3A_251 = arith.andi %ne3A_250, %ne3A_246 : i1
      %add3A_252 = arith.addi %rem3A_244, %select_n3A_243 : i32
      %select_n3A_253 = arith.select %and3A_251, %add3A_252, %rem3A_244 : i32
      %mul3A_254 = arith.constant 16 : i32
      %mul3A_255 = arith.muli %select_n3A_253, %mul3A_254 : i32
      %swap3A = arith.index_cast %select_n3A_239 : i32 to index
      %swap3A_256 = arith.index_cast %mul3A_255 : i32 to index
      %swap3A_257 = tpu.vector_load %arg9[%swap3A, %swap3A_256] {strides = array<i32>} : memref<64x128xi32, #tpu.memory_space<vmem>>, vector<16xi32>,
      tpu.vector_store %arg9[%swap3A, %swap3A_256], %get3A_215 {strides = array<i32>} : memref<64x128xi32, #tpu.memory_space<vmem>>, vector<16xi32>,
    }
    "tpu.trace_stop"() : () -> ()
    "tpu.trace_start"() <{level = 10 : i32, message = "zero_wait"}> : () -> ()
    %dma_wait3A_170 = tpu.memref_slice %arg3[%add3A_25] : memref<4194304xf32, #tpu.memory_space<hbm>> -> memref<8192xf32, #tpu.memory_space<hbm>>
    %dma_wait3A_171 = tpu.memref_slice %arg3[%add3A_25] : memref<4194304xf32, #tpu.memory_space<hbm>> -> memref<8192xf32, #tpu.memory_space<hbm>>
    tpu.wait_dma2 semaphore(%arg11 : memref<!tpu.dma_semaphore, #tpu.memory_space<semaphore_mem>>) src(%arg4 : memref<8192xf32, #tpu.memory_space<vmem>>) dst(%dma_wait3A_171 : memref<8192xf32, #tpu.memory_space<hbm>>)
    %dma_wait3A_172 = tpu.memref_slice %arg3[%add3A_29] : memref<4194304xf32, #tpu.memory_space<hbm>> -> memref<8192xf32, #tpu.memory_space<hbm>>
    %dma_wait3A_173 = tpu.memref_slice %arg3[%add3A_29] : memref<4194304xf32, #tpu.memory_space<hbm>> -> memref<8192xf32, #tpu.memory_space<hbm>>
    tpu.wait_dma2 semaphore(%arg11 : memref<!tpu.dma_semaphore, #tpu.memory_space<semaphore_mem>>) src(%arg4 : memref<8192xf32, #tpu.memory_space<vmem>>) dst(%dma_wait3A_173 : memref<8192xf32, #tpu.memory_space<hbm>>)
    %dma_wait3A_174 = tpu.memref_slice %arg3[%add3A_33] : memref<4194304xf32, #tpu.memory_space<hbm>> -> memref<8192xf32, #tpu.memory_space<hbm>>
    %dma_wait3A_175 = tpu.memref_slice %arg3[%add3A_33] : memref<4194304xf32, #tpu.memory_space<hbm>> -> memref<8192xf32, #tpu.memory_space<hbm>>
    tpu.wait_dma2 semaphore(%arg11 : memref<!tpu.dma_semaphore, #tpu.memory_space<semaphore_mem>>) src(%arg4 : memref<8192xf32, #tpu.memory_space<vmem>>) dst(%dma_wait3A_175 : memref<8192xf32, #tpu.memory_space<hbm>>)
    %dma_wait3A_176 = tpu.memref_slice %arg3[%add3A_37] : memref<4194304xf32, #tpu.memory_space<hbm>> -> memref<8192xf32, #tpu.memory_space<hbm>>
    %dma_wait3A_177 = tpu.memref_slice %arg3[%add3A_37] : memref<4194304xf32, #tpu.memory_space<hbm>> -> memref<8192xf32, #tpu.memory_space<hbm>>
    tpu.wait_dma2 semaphore(%arg11 : memref<!tpu.dma_semaphore, #tpu.memory_space<semaphore_mem>>) src(%arg4 : memref<8192xf32, #tpu.memory_space<vmem>>) dst(%dma_wait3A_177 : memref<8192xf32, #tpu.memory_space<hbm>>)
    %dma_wait3A_178 = tpu.memref_slice %arg3[%add3A_41] : memref<4194304xf32, #tpu.memory_space<hbm>> -> memref<8192xf32, #tpu.memory_space<hbm>>
    %dma_wait3A_179 = tpu.memref_slice %arg3[%add3A_41] : memref<4194304xf32, #tpu.memory_space<hbm>> -> memref<8192xf32, #tpu.memory_space<hbm>>
    tpu.wait_dma2 semaphore(%arg11 : memref<!tpu.dma_semaphore, #tpu.memory_space<semaphore_mem>>) src(%arg4 : memref<8192xf32, #tpu.memory_space<vmem>>) dst(%dma_wait3A_179 : memref<8192xf32, #tpu.memory_space<hbm>>)
    %dma_wait3A_180 = tpu.memref_slice %arg3[%add3A_45] : memref<4194304xf32, #tpu.memory_space<hbm>> -> memref<8192xf32, #tpu.memory_space<hbm>>
    %dma_wait3A_181 = tpu.memref_slice %arg3[%add3A_45] : memref<4194304xf32, #tpu.memory_space<hbm>> -> memref<8192xf32, #tpu.memory_space<hbm>>
    tpu.wait_dma2 semaphore(%arg11 : memref<!tpu.dma_semaphore, #tpu.memory_space<semaphore_mem>>) src(%arg4 : memref<8192xf32, #tpu.memory_space<vmem>>) dst(%dma_wait3A_181 : memref<8192xf32, #tpu.memory_space<hbm>>)
    %dma_wait3A_182 = tpu.memref_slice %arg3[%add3A_49] : memref<4194304xf32, #tpu.memory_space<hbm>> -> memref<8192xf32, #tpu.memory_space<hbm>>
    %dma_wait3A_183 = tpu.memref_slice %arg3[%add3A_49] : memref<4194304xf32, #tpu.memory_space<hbm>> -> memref<8192xf32, #tpu.memory_space<hbm>>
    tpu.wait_dma2 semaphore(%arg11 : memref<!tpu.dma_semaphore, #tpu.memory_space<semaphore_mem>>) src(%arg4 : memref<8192xf32, #tpu.memory_space<vmem>>) dst(%dma_wait3A_183 : memref<8192xf32, #tpu.memory_space<hbm>>)
    %dma_wait3A_184 = tpu.memref_slice %arg3[%add3A_53] : memref<4194304xf32, #tpu.memory_space<hbm>> -> memref<8192xf32, #tpu.memory_space<hbm>>
    %dma_wait3A_185 = tpu.memref_slice %arg3[%add3A_53] : memref<4194304xf32, #tpu.memory_space<hbm>> -> memref<8192xf32, #tpu.memory_space<hbm>>
    tpu.wait_dma2 semaphore(%arg11 : memref<!tpu.dma_semaphore, #tpu.memory_space<semaphore_mem>>) src(%arg4 : memref<8192xf32, #tpu.memory_space<vmem>>) dst(%dma_wait3A_185 : memref<8192xf32, #tpu.memory_space<hbm>>)
    %dma_wait3A_186 = tpu.memref_slice %arg3[%add3A_57] : memref<4194304xf32, #tpu.memory_space<hbm>> -> memref<8192xf32, #tpu.memory_space<hbm>>
    %dma_wait3A_187 = tpu.memref_slice %arg3[%add3A_57] : memref<4194304xf32, #tpu.memory_space<hbm>> -> memref<8192xf32, #tpu.memory_space<hbm>>
    tpu.wait_dma2 semaphore(%arg11 : memref<!tpu.dma_semaphore, #tpu.memory_space<semaphore_mem>>) src(%arg4 : memref<8192xf32, #tpu.memory_space<vmem>>) dst(%dma_wait3A_187 : memref<8192xf32, #tpu.memory_space<hbm>>)
    %dma_wait3A_188 = tpu.memref_slice %arg3[%add3A_61] : memref<4194304xf32, #tpu.memory_space<hbm>> -> memref<8192xf32, #tpu.memory_space<hbm>>
    %dma_wait3A_189 = tpu.memref_slice %arg3[%add3A_61] : memref<4194304xf32, #tpu.memory_space<hbm>> -> memref<8192xf32, #tpu.memory_space<hbm>>
    tpu.wait_dma2 semaphore(%arg11 : memref<!tpu.dma_semaphore, #tpu.memory_space<semaphore_mem>>) src(%arg4 : memref<8192xf32, #tpu.memory_space<vmem>>) dst(%dma_wait3A_189 : memref<8192xf32, #tpu.memory_space<hbm>>)
    %dma_wait3A_190 = tpu.memref_slice %arg3[%add3A_65] : memref<4194304xf32, #tpu.memory_space<hbm>> -> memref<8192xf32, #tpu.memory_space<hbm>>
    %dma_wait3A_191 = tpu.memref_slice %arg3[%add3A_65] : memref<4194304xf32, #tpu.memory_space<hbm>> -> memref<8192xf32, #tpu.memory_space<hbm>>
    tpu.wait_dma2 semaphore(%arg11 : memref<!tpu.dma_semaphore, #tpu.memory_space<semaphore_mem>>) src(%arg4 : memref<8192xf32, #tpu.memory_space<vmem>>) dst(%dma_wait3A_191 : memref<8192xf32, #tpu.memory_space<hbm>>)
    %dma_wait3A_192 = tpu.memref_slice %arg3[%add3A_69] : memref<4194304xf32, #tpu.memory_space<hbm>> -> memref<8192xf32, #tpu.memory_space<hbm>>
    %dma_wait3A_193 = tpu.memref_slice %arg3[%add3A_69] : memref<4194304xf32, #tpu.memory_space<hbm>> -> memref<8192xf32, #tpu.memory_space<hbm>>
    tpu.wait_dma2 semaphore(%arg11 : memref<!tpu.dma_semaphore, #tpu.memory_space<semaphore_mem>>) src(%arg4 : memref<8192xf32, #tpu.memory_space<vmem>>) dst(%dma_wait3A_193 : memref<8192xf32, #tpu.memory_space<hbm>>)
    %dma_wait3A_194 = tpu.memref_slice %arg3[%add3A_73] : memref<4194304xf32, #tpu.memory_space<hbm>> -> memref<8192xf32, #tpu.memory_space<hbm>>
    %dma_wait3A_195 = tpu.memref_slice %arg3[%add3A_73] : memref<4194304xf32, #tpu.memory_space<hbm>> -> memref<8192xf32, #tpu.memory_space<hbm>>
    tpu.wait_dma2 semaphore(%arg11 : memref<!tpu.dma_semaphore, #tpu.memory_space<semaphore_mem>>) src(%arg4 : memref<8192xf32, #tpu.memory_space<vmem>>) dst(%dma_wait3A_195 : memref<8192xf32, #tpu.memory_space<hbm>>)
    %dma_wait3A_196 = tpu.memref_slice %arg3[%add3A_77] : memref<4194304xf32, #tpu.memory_space<hbm>> -> memref<8192xf32, #tpu.memory_space<hbm>>
    %dma_wait3A_197 = tpu.memref_slice %arg3[%add3A_77] : memref<4194304xf32, #tpu.memory_space<hbm>> -> memref<8192xf32, #tpu.memory_space<hbm>>
    tpu.wait_dma2 semaphore(%arg11 : memref<!tpu.dma_semaphore, #tpu.memory_space<semaphore_mem>>) src(%arg4 : memref<8192xf32, #tpu.memory_space<vmem>>) dst(%dma_wait3A_197 : memref<8192xf32, #tpu.memory_space<hbm>>)
    %dma_wait3A_198 = tpu.memref_slice %arg3[%add3A_81] : memref<4194304xf32, #tpu.memory_space<hbm>> -> memref<8192xf32, #tpu.memory_space<hbm>>
    %dma_wait3A_199 = tpu.memref_slice %arg3[%add3A_81] : memref<4194304xf32, #tpu.memory_space<hbm>> -> memref<8192xf32, #tpu.memory_space<hbm>>
    tpu.wait_dma2 semaphore(%arg11 : memref<!tpu.dma_semaphore, #tpu.memory_space<semaphore_mem>>) src(%arg4 : memref<8192xf32, #tpu.memory_space<vmem>>) dst(%dma_wait3A_199 : memref<8192xf32, #tpu.memory_space<hbm>>)
    %dma_wait3A_200 = tpu.memref_slice %arg3[%add3A_85] : memref<4194304xf32, #tpu.memory_space<hbm>> -> memref<8192xf32, #tpu.memory_space<hbm>>
    %dma_wait3A_201 = tpu.memref_slice %arg3[%add3A_85] : memref<4194304xf32, #tpu.memory_space<hbm>> -> memref<8192xf32, #tpu.memory_space<hbm>>
    tpu.wait_dma2 semaphore(%arg11 : memref<!tpu.dma_semaphore, #tpu.memory_space<semaphore_mem>>) src(%arg4 : memref<8192xf32, #tpu.memory_space<vmem>>) dst(%dma_wait3A_201 : memref<8192xf32, #tpu.memory_space<hbm>>)
    "tpu.trace_stop"() : () -> ()
    "tpu.trace_start"() <{level = 10 : i32, message = "barrier"}> : () -> ()
    %barrier3A = arith.constant 0 : index
    tpu.barrier barrier_id(%barrier3A)
    %while3A_202 = arith.constant 0 : i32
    %while3A_203 = arith.constant 0 : i32
    "tpu.trace_stop"() : () -> ()
    "tpu.trace_start"() <{level = 10 : i32, message = "scatter"}> : () -> ()
    %while3A_204 = arith.subi %select_n3A, %while3A_203 : i32
    %while3A_205 = arith.addi %while3A_203, %while3A_204 : i32
    %while3A_206 = arith.constant 1 : i32
    %while3A_207 = arith.divsi %while3A_204, %while3A_206 : i32
    %while3A_208 = arith.muli %while3A_207, %while3A_206 : i32
    %while3A_209 = arith.addi %while3A_203, %while3A_208 : i32
    %while3A_210 = arith.constant 1 : i32
    scf.for %while3A_212 = %while3A_203 to %while3A_209 step %while3A_210  : i32 {
      "tpu.region"() ({
        %run_scoped3A = tpu.sem_alloc : memref<!tpu.dma_semaphore, #tpu.memory_space<semaphore_mem>>
        %dma_start3A_213 = arith.constant 0 : i32
        %dma_start3A_214 = tpu.memref_slice %arg9[%while3A_212, %dma_start3A_213] : memref<64x128xi32, #tpu.memory_space<vmem>> -> memref<1x128xi32, #tpu.memory_space<vmem>>
        %dma_start3A_215 = tpu.memref_squeeze %dma_start3A_214 : memref<1x128xi32, #tpu.memory_space<vmem>> -> memref<128xi32, #tpu.memory_space<vmem>>
        %dma_start3A_216 = arith.constant 0 : i32
        %dma_start3A_217 = tpu.memref_slice %arg3[%dma_start3A_216] : memref<4194304xf32, #tpu.memory_space<hbm>> -> memref<4194304xf32, #tpu.memory_space<hbm>>
        tpu.enqueue_indirect_dma source(%arg5 : memref<128xf32, #tpu.memory_space<vmem>>) target(%dma_start3A_217 : memref<4194304xf32, #tpu.memory_space<hbm>>) offsets(%dma_start3A_215 : memref<128xi32, #tpu.memory_space<vmem>>) semaphore(%run_scoped3A : memref<!tpu.dma_semaphore, #tpu.memory_space<semaphore_mem>>)
        %dma_wait3A_218 = arith.constant 0 : i32
        %dma_wait3A_219 = tpu.memref_slice %arg9[%while3A_212, %dma_wait3A_218] : memref<64x128xi32, #tpu.memory_space<vmem>> -> memref<1x128xi32, #tpu.memory_space<vmem>>
        %dma_wait3A_220 = tpu.memref_squeeze %dma_wait3A_219 : memref<1x128xi32, #tpu.memory_space<vmem>> -> memref<128xi32, #tpu.memory_space<vmem>>
        %dma_wait3A_221 = arith.constant 0 : i32
        %dma_wait3A_222 = tpu.memref_slice %arg3[%dma_wait3A_221] : memref<4194304xf32, #tpu.memory_space<hbm>> -> memref<4194304xf32, #tpu.memory_space<hbm>>
        tpu.wait_indirect_dma semaphore(%run_scoped3A : memref<!tpu.dma_semaphore, #tpu.memory_space<semaphore_mem>>) src(%arg5 : memref<128xf32, #tpu.memory_space<vmem>>) dst(%dma_wait3A_222 : memref<4194304xf32, #tpu.memory_space<hbm>>)
        tpu.yield
      }) : () -> ()
    }
    %while3A_211 = arith.constant 1 : i32
    scf.for %while3A_212 = %while3A_209 to %while3A_205 step %while3A_211  : i32 {
      "tpu.region"() ({
        %run_scoped3A = tpu.sem_alloc : memref<!tpu.dma_semaphore, #tpu.memory_space<semaphore_mem>>
        %dma_start3A_213 = arith.constant 0 : i32
        %dma_start3A_214 = tpu.memref_slice %arg9[%while3A_212, %dma_start3A_213] : memref<64x128xi32, #tpu.memory_space<vmem>> -> memref<1x128xi32, #tpu.memory_space<vmem>>
        %dma_start3A_215 = tpu.memref_squeeze %dma_start3A_214 : memref<1x128xi32, #tpu.memory_space<vmem>> -> memref<128xi32, #tpu.memory_space<vmem>>
        %dma_start3A_216 = arith.constant 0 : i32
        %dma_start3A_217 = tpu.memref_slice %arg3[%dma_start3A_216] : memref<4194304xf32, #tpu.memory_space<hbm>> -> memref<4194304xf32, #tpu.memory_space<hbm>>
        tpu.enqueue_indirect_dma source(%arg5 : memref<128xf32, #tpu.memory_space<vmem>>) target(%dma_start3A_217 : memref<4194304xf32, #tpu.memory_space<hbm>>) offsets(%dma_start3A_215 : memref<128xi32, #tpu.memory_space<vmem>>) semaphore(%run_scoped3A : memref<!tpu.dma_semaphore, #tpu.memory_space<semaphore_mem>>)
        %dma_wait3A_218 = arith.constant 0 : i32
        %dma_wait3A_219 = tpu.memref_slice %arg9[%while3A_212, %dma_wait3A_218] : memref<64x128xi32, #tpu.memory_space<vmem>> -> memref<1x128xi32, #tpu.memory_space<vmem>>
        %dma_wait3A_220 = tpu.memref_squeeze %dma_wait3A_219 : memref<1x128xi32, #tpu.memory_space<vmem>> -> memref<128xi32, #tpu.memory_space<vmem>>
        %dma_wait3A_221 = arith.constant 0 : i32
        %dma_wait3A_222 = tpu.memref_slice %arg3[%dma_wait3A_221] : memref<4194304xf32, #tpu.memory_space<hbm>> -> memref<4194304xf32, #tpu.memory_space<hbm>>
        tpu.wait_indirect_dma semaphore(%run_scoped3A : memref<!tpu.dma_semaphore, #tpu.memory_space<semaphore_mem>>) src(%arg5 : memref<128xf32, #tpu.memory_space<vmem>>) dst(%dma_wait3A_222 : memref<4194304xf32, #tpu.memory_space<hbm>>)
        tpu.yield
      }) : () -> ()
    }
    "tpu.trace_stop"() : () -> ()
    return
  }
}

module attributes {stable_mosaic.version = 14 : i64} {
  func.func @_tc_softmax_body(%arg0: i32, %arg1: memref<2x512x128xf32, #tpu.memory_space<vmem>>, %arg2: memref<128x512xf32, #tpu.memory_space<vmem>>, %arg3: memref<1x512xf32, #tpu.memory_space<vmem>>, %arg4: memref<2x512x512xbf16, #tpu.memory_space<vmem>>, %arg5: memref<2x512x128xf32, #tpu.memory_space<vmem>>) attributes {dimension_semantics = [#tpu.dimension_semantics<arbitrary>], iteration_bounds = array<i64: 8>, scalar_prefetch = 0 : i64, scratch_operands = 0 : i64, tpu.core_type = #tpu.core_type<tc>, window_params = [{transform_indices = @transform_0, window_bounds = array<i64: 2, 512, 128>}, {pipeline_mode = #tpu.pipeline_mode<synchronous>, transform_indices = @transform_1, window_bounds = array<i64: 128, 512>}, {pipeline_mode = #tpu.pipeline_mode<synchronous>, transform_indices = @transform_2, window_bounds = array<i64: 1, 512>}, {transform_indices = @transform_3, window_bounds = array<i64: 2, 512, 512>}, {transform_indices = @transform_4, window_bounds = array<i64: 2, 512, 128>}]} {
    %get3A = arith.constant 0 : index
    %get3A_0 = arith.constant 0 : index
    %get3A_1 = vector.load %arg2[%get3A, %get3A_0] : memref<128x512xf32, #tpu.memory_space<vmem>>, vector<128x512xf32>
    %convert_element_type3A = arith.truncf %get3A_1 : vector<128x512xf32> to vector<128x512xbf16>
    %get3A_2 = arith.constant 0 : index
    %get3A_3 = arith.constant 0 : index
    %get3A_4 = vector.load %arg3[%get3A_2, %get3A_3] : memref<1x512xf32, #tpu.memory_space<vmem>>, vector<1x512xf32>
    %get3A_5 = arith.constant 0 : index
    %get3A_6 = arith.constant 0 : index
    %get3A_7 = arith.constant 0 : index
    %get3A_8 = vector.load %arg1[%get3A_5, %get3A_6, %get3A_7] : memref<2x512x128xf32, #tpu.memory_space<vmem>>, vector<1x512x128xf32>
    %get3A_9 = vector.shape_cast %get3A_8 : vector<1x512x128xf32> to vector<512x128xf32>
    %convert_element_type3A_10 = arith.truncf %get3A_9 : vector<512x128xf32> to vector<512x128xbf16>
    %dot_general3A = arith.constant dense<0.000000e+00> : vector<512x512xf32>
    %dot_general3A_11 = tpu.matmul %convert_element_type3A_10, %convert_element_type3A, %dot_general3A {dimension_numbers = #tpu.dot_dimension_numbers<[1], [0], [0], [1], [0, 0, 1, 1], [], []>, transpose_lhs_hint = false} : vector<512x128xbf16>, vector<128x512xbf16>, vector<512x512xf32> -> vector<512x512xf32>
    %add3A = vector.broadcast %get3A_4 : vector<1x512xf32> to vector<512x512xf32>
    %add3A_12 = arith.addf %dot_general3A_11, %add3A : vector<512x512xf32>
    %reduce_max3A = arith.constant dense<0xFF800000> : vector<512xf32>
    %reduce_max3A_13 = vector.multi_reduction <maximumf>, %add3A_12, %reduce_max3A [1] : vector<512x512xf32> to vector<512xf32>
    %broadcast_in_dim3A = vector.shape_cast %reduce_max3A_13 : vector<512xf32> to vector<512x1xf32>
    %sub3A = vector.broadcast %broadcast_in_dim3A : vector<512x1xf32> to vector<512x512xf32>
    %sub3A_14 = arith.subf %add3A_12, %sub3A : vector<512x512xf32>
    %exp3A = math.exp %sub3A_14 : vector<512x512xf32>
    %reduce_sum3A = arith.constant dense<0.000000e+00> : vector<512xf32>
    %reduce_sum3A_15 = vector.multi_reduction <add>, %exp3A, %reduce_sum3A [1] : vector<512x512xf32> to vector<512xf32>
    %broadcast_in_dim3A_16 = vector.shape_cast %reduce_sum3A_15 : vector<512xf32> to vector<512x1xf32>
    %div3A = vector.broadcast %broadcast_in_dim3A_16 : vector<512x1xf32> to vector<512x512xf32>
    %div3A_17 = arith.divf %exp3A, %div3A : vector<512x512xf32>
    %convert_element_type3A_18 = arith.truncf %div3A_17 : vector<512x512xf32> to vector<512x512xbf16>
    %swap3A = arith.constant 0 : index
    %swap3A_19 = arith.constant 0 : index
    %swap3A_20 = arith.constant 0 : index
    %swap3A_21 = vector.load %arg4[%swap3A, %swap3A_19, %swap3A_20] : memref<2x512x512xbf16, #tpu.memory_space<vmem>>, vector<1x512x512xbf16>
    %swap3A_22 = vector.shape_cast %swap3A_21 : vector<1x512x512xbf16> to vector<512x512xbf16>
    %swap3A_23 = vector.shape_cast %convert_element_type3A_18 : vector<512x512xbf16> to vector<1x512x512xbf16>
    tpu.vector_store %arg4[%swap3A, %swap3A_19, %swap3A_20], %swap3A_23 {strides = array<i32>} : memref<2x512x512xbf16, #tpu.memory_space<vmem>>, vector<1x512x512xbf16>,
    %dot_general3A_24 = arith.constant dense<0.000000e+00> : vector<512x128xf32>
    %dot_general3A_25 = tpu.matmul %convert_element_type3A_18, %convert_element_type3A_10, %dot_general3A_24 {dimension_numbers = #tpu.dot_dimension_numbers<[0], [0], [1], [1], [0, 1, 1, 1], [], []>, transpose_lhs_hint = false} : vector<512x512xbf16>, vector<512x128xbf16>, vector<512x128xf32> -> vector<512x128xf32>
    %swap3A_26 = arith.constant 0 : index
    %swap3A_27 = arith.constant 0 : index
    %swap3A_28 = arith.constant 0 : index
    %swap3A_29 = vector.load %arg5[%swap3A_26, %swap3A_27, %swap3A_28] : memref<2x512x128xf32, #tpu.memory_space<vmem>>, vector<1x512x128xf32>
    %swap3A_30 = vector.shape_cast %swap3A_29 : vector<1x512x128xf32> to vector<512x128xf32>
    %swap3A_31 = vector.shape_cast %dot_general3A_25 : vector<512x128xf32> to vector<1x512x128xf32>
    tpu.vector_store %arg5[%swap3A_26, %swap3A_27, %swap3A_28], %swap3A_31 {strides = array<i32>} : memref<2x512x128xf32, #tpu.memory_space<vmem>>, vector<1x512x128xf32>,
    %get3A_32 = arith.constant 1 : index
    %get3A_33 = arith.constant 0 : index
    %get3A_34 = arith.constant 0 : index
    %get3A_35 = vector.load %arg1[%get3A_32, %get3A_33, %get3A_34] : memref<2x512x128xf32, #tpu.memory_space<vmem>>, vector<1x512x128xf32>
    %get3A_36 = vector.shape_cast %get3A_35 : vector<1x512x128xf32> to vector<512x128xf32>
    %convert_element_type3A_37 = arith.truncf %get3A_36 : vector<512x128xf32> to vector<512x128xbf16>
    %dot_general3A_38 = arith.constant dense<0.000000e+00> : vector<512x512xf32>
    %dot_general3A_39 = tpu.matmul %convert_element_type3A_37, %convert_element_type3A, %dot_general3A_38 {dimension_numbers = #tpu.dot_dimension_numbers<[1], [0], [0], [1], [0, 0, 1, 1], [], []>, transpose_lhs_hint = false} : vector<512x128xbf16>, vector<128x512xbf16>, vector<512x512xf32> -> vector<512x512xf32>
    %add3A_40 = vector.broadcast %get3A_4 : vector<1x512xf32> to vector<512x512xf32>
    %add3A_41 = arith.addf %dot_general3A_39, %add3A_40 : vector<512x512xf32>
    %reduce_max3A_42 = arith.constant dense<0xFF800000> : vector<512xf32>
    %reduce_max3A_43 = vector.multi_reduction <maximumf>, %add3A_41, %reduce_max3A_42 [1] : vector<512x512xf32> to vector<512xf32>
    %broadcast_in_dim3A_44 = vector.shape_cast %reduce_max3A_43 : vector<512xf32> to vector<512x1xf32>
    %sub3A_45 = vector.broadcast %broadcast_in_dim3A_44 : vector<512x1xf32> to vector<512x512xf32>
    %sub3A_46 = arith.subf %add3A_41, %sub3A_45 : vector<512x512xf32>
    %exp3A_47 = math.exp %sub3A_46 : vector<512x512xf32>
    %reduce_sum3A_48 = arith.constant dense<0.000000e+00> : vector<512xf32>
    %reduce_sum3A_49 = vector.multi_reduction <add>, %exp3A_47, %reduce_sum3A_48 [1] : vector<512x512xf32> to vector<512xf32>
    %broadcast_in_dim3A_50 = vector.shape_cast %reduce_sum3A_49 : vector<512xf32> to vector<512x1xf32>
    %div3A_51 = vector.broadcast %broadcast_in_dim3A_50 : vector<512x1xf32> to vector<512x512xf32>
    %div3A_52 = arith.divf %exp3A_47, %div3A_51 : vector<512x512xf32>
    %convert_element_type3A_53 = arith.truncf %div3A_52 : vector<512x512xf32> to vector<512x512xbf16>
    %swap3A_54 = arith.constant 1 : index
    %swap3A_55 = arith.constant 0 : index
    %swap3A_56 = arith.constant 0 : index
    %swap3A_57 = vector.load %arg4[%swap3A_54, %swap3A_55, %swap3A_56] : memref<2x512x512xbf16, #tpu.memory_space<vmem>>, vector<1x512x512xbf16>
    %swap3A_58 = vector.shape_cast %swap3A_57 : vector<1x512x512xbf16> to vector<512x512xbf16>
    %swap3A_59 = vector.shape_cast %convert_element_type3A_53 : vector<512x512xbf16> to vector<1x512x512xbf16>
    tpu.vector_store %arg4[%swap3A_54, %swap3A_55, %swap3A_56], %swap3A_59 {strides = array<i32>} : memref<2x512x512xbf16, #tpu.memory_space<vmem>>, vector<1x512x512xbf16>,
    %dot_general3A_60 = arith.constant dense<0.000000e+00> : vector<512x128xf32>
    %dot_general3A_61 = tpu.matmul %convert_element_type3A_53, %convert_element_type3A_37, %dot_general3A_60 {dimension_numbers = #tpu.dot_dimension_numbers<[0], [0], [1], [1], [0, 1, 1, 1], [], []>, transpose_lhs_hint = false} : vector<512x512xbf16>, vector<512x128xbf16>, vector<512x128xf32> -> vector<512x128xf32>
    %swap3A_62 = arith.constant 1 : index
    %swap3A_63 = arith.constant 0 : index
    %swap3A_64 = arith.constant 0 : index
    %swap3A_65 = vector.load %arg5[%swap3A_62, %swap3A_63, %swap3A_64] : memref<2x512x128xf32, #tpu.memory_space<vmem>>, vector<1x512x128xf32>
    %swap3A_66 = vector.shape_cast %swap3A_65 : vector<1x512x128xf32> to vector<512x128xf32>
    %swap3A_67 = vector.shape_cast %dot_general3A_61 : vector<512x128xf32> to vector<1x512x128xf32>
    tpu.vector_store %arg5[%swap3A_62, %swap3A_63, %swap3A_64], %swap3A_67 {strides = array<i32>} : memref<2x512x128xf32, #tpu.memory_space<vmem>>, vector<1x512x128xf32>,
    return
  }
  func.func @transform_0(%arg0: i32) -> (i32, i32, i32) {
    %c0_i32 = arith.constant 0 : i32
    %c0_i32_0 = arith.constant 0 : i32
    %c0_i32_1 = arith.constant 0 : i32
    return %arg0, %c0_i32, %c0_i32_0 : i32, i32, i32
  }
  func.func @transform_1(%arg0: i32) -> (i32, i32) {
    %c0_i32 = arith.constant 0 : i32
    %c0_i32_0 = arith.constant 0 : i32
    %c0_i32_1 = arith.constant 0 : i32
    return %c0_i32, %c0_i32_0 : i32, i32
  }
  func.func @transform_2(%arg0: i32) -> (i32, i32) {
    %c0_i32 = arith.constant 0 : i32
    %c0_i32_0 = arith.constant 0 : i32
    %c0_i32_1 = arith.constant 0 : i32
    return %c0_i32, %c0_i32_0 : i32, i32
  }
  func.func @transform_3(%arg0: i32) -> (i32, i32, i32) {
    %c0_i32 = arith.constant 0 : i32
    %c0_i32_0 = arith.constant 0 : i32
    %c0_i32_1 = arith.constant 0 : i32
    return %arg0, %c0_i32, %c0_i32_0 : i32, i32, i32
  }
  func.func @transform_4(%arg0: i32) -> (i32, i32, i32) {
    %c0_i32 = arith.constant 0 : i32
    %c0_i32_0 = arith.constant 0 : i32
    %c0_i32_1 = arith.constant 0 : i32
    return %arg0, %c0_i32, %c0_i32_0 : i32, i32, i32
  }
}

module attributes {stable_mosaic.version = 14 : i64} {
  func.func @_tc_diag_body(%arg0: i32, %arg1: memref<2x2048x128xf32, #tpu.memory_space<vmem>>, %arg2: memref<2x512x512xbf16, #tpu.memory_space<vmem>>, %arg3: memref<2x1x512xf32, #tpu.memory_space<vmem>>) attributes {dimension_semantics = [#tpu.dimension_semantics<arbitrary>], iteration_bounds = array<i64: 8>, scalar_prefetch = 0 : i64, scratch_operands = 0 : i64, tpu.core_type = #tpu.core_type<tc>, window_params = [{transform_indices = @transform_0, window_bounds = array<i64: 2, 2048, 128>}, {transform_indices = @transform_1, window_bounds = array<i64: 2, 512, 512>}, {transform_indices = @transform_2, window_bounds = array<i64: 2, 1, 512>}]} {
    %get3A = arith.constant 0 : index
    %get3A_0 = arith.constant 0 : index
    %get3A_1 = arith.constant 0 : index
    %get3A_2 = vector.load %arg2[%get3A, %get3A_0, %get3A_1] : memref<2x512x512xbf16, #tpu.memory_space<vmem>>, vector<1x512x512xbf16>
    %get3A_3 = vector.shape_cast %get3A_2 : vector<1x512x512xbf16> to vector<512x512xbf16>
    %convert_element_type3A = arith.extf %get3A_3 : vector<512x512xbf16> to vector<512x512xf32>
    %get3A_4 = arith.constant 0 : index
    %get3A_5 = arith.constant 0 : index
    %get3A_6 = arith.constant 0 : index
    %get3A_7 = vector.load %arg1[%get3A_4, %get3A_5, %get3A_6] : memref<2x2048x128xf32, #tpu.memory_space<vmem>>, vector<1x2048x128xf32>
    %get3A_8 = vector.shape_cast %get3A_7 : vector<1x2048x128xf32> to vector<2048x128xf32>
    %convert_element_type3A_9 = arith.truncf %get3A_8 : vector<2048x128xf32> to vector<2048x128xbf16>
    %slice3A = vector.extract_strided_slice %convert_element_type3A_9 {offsets = [0, 0], sizes = [512, 128], strides = [1, 1]} : vector<2048x128xbf16> to vector<512x128xbf16>
    %slice3A_10 = vector.extract_strided_slice %get3A_3 {offsets = [0, 0], sizes = [128, 512], strides = [1, 1]} : vector<512x512xbf16> to vector<128x512xbf16>
    %dot_general3A = arith.constant dense<0.000000e+00> : vector<512x512xf32>
    %dot_general3A_11 = tpu.matmul %slice3A, %slice3A_10, %dot_general3A {dimension_numbers = #tpu.dot_dimension_numbers<[1], [0], [0], [1], [0, 0, 1, 1], [], []>, transpose_lhs_hint = false} : vector<512x128xbf16>, vector<128x512xbf16>, vector<512x512xf32> -> vector<512x512xf32>
    %slice3A_12 = vector.extract_strided_slice %convert_element_type3A_9 {offsets = [512, 0], sizes = [512, 128], strides = [1, 1]} : vector<2048x128xbf16> to vector<512x128xbf16>
    %slice3A_13 = vector.extract_strided_slice %get3A_3 {offsets = [128, 0], sizes = [128, 512], strides = [1, 1]} : vector<512x512xbf16> to vector<128x512xbf16>
    %dot_general3A_14 = arith.constant dense<0.000000e+00> : vector<512x512xf32>
    %dot_general3A_15 = tpu.matmul %slice3A_12, %slice3A_13, %dot_general3A_14 {dimension_numbers = #tpu.dot_dimension_numbers<[1], [0], [0], [1], [0, 0, 1, 1], [], []>, transpose_lhs_hint = false} : vector<512x128xbf16>, vector<128x512xbf16>, vector<512x512xf32> -> vector<512x512xf32>
    %add3A = arith.addf %dot_general3A_11, %dot_general3A_15 : vector<512x512xf32>
    %slice3A_16 = vector.extract_strided_slice %convert_element_type3A_9 {offsets = [1024, 0], sizes = [512, 128], strides = [1, 1]} : vector<2048x128xbf16> to vector<512x128xbf16>
    %slice3A_17 = vector.extract_strided_slice %get3A_3 {offsets = [256, 0], sizes = [128, 512], strides = [1, 1]} : vector<512x512xbf16> to vector<128x512xbf16>
    %dot_general3A_18 = arith.constant dense<0.000000e+00> : vector<512x512xf32>
    %dot_general3A_19 = tpu.matmul %slice3A_16, %slice3A_17, %dot_general3A_18 {dimension_numbers = #tpu.dot_dimension_numbers<[1], [0], [0], [1], [0, 0, 1, 1], [], []>, transpose_lhs_hint = false} : vector<512x128xbf16>, vector<128x512xbf16>, vector<512x512xf32> -> vector<512x512xf32>
    %add3A_20 = arith.addf %add3A, %dot_general3A_19 : vector<512x512xf32>
    %slice3A_21 = vector.extract_strided_slice %convert_element_type3A_9 {offsets = [1536, 0], sizes = [512, 128], strides = [1, 1]} : vector<2048x128xbf16> to vector<512x128xbf16>
    %slice3A_22 = vector.extract_strided_slice %get3A_3 {offsets = [384, 0], sizes = [128, 512], strides = [1, 1]} : vector<512x512xbf16> to vector<128x512xbf16>
    %dot_general3A_23 = arith.constant dense<0.000000e+00> : vector<512x512xf32>
    %dot_general3A_24 = tpu.matmul %slice3A_21, %slice3A_22, %dot_general3A_23 {dimension_numbers = #tpu.dot_dimension_numbers<[1], [0], [0], [1], [0, 0, 1, 1], [], []>, transpose_lhs_hint = false} : vector<512x128xbf16>, vector<128x512xbf16>, vector<512x512xf32> -> vector<512x512xf32>
    %add3A_25 = arith.addf %add3A_20, %dot_general3A_24 : vector<512x512xf32>
    %mul3A = arith.mulf %convert_element_type3A, %add3A_25 : vector<512x512xf32>
    %reduce_sum3A = arith.constant dense<0.000000e+00> : vector<512xf32>
    %reduce_sum3A_26 = vector.multi_reduction <add>, %mul3A, %reduce_sum3A [0] : vector<512x512xf32> to vector<512xf32>
    %broadcast_in_dim3A = vector.shape_cast %reduce_sum3A_26 : vector<512xf32> to vector<1x512xf32>
    %swap3A = arith.constant 0 : index
    %swap3A_27 = arith.constant 0 : index
    %swap3A_28 = arith.constant 0 : index
    %swap3A_29 = vector.load %arg3[%swap3A, %swap3A_27, %swap3A_28] : memref<2x1x512xf32, #tpu.memory_space<vmem>>, vector<1x1x512xf32>
    %swap3A_30 = vector.shape_cast %swap3A_29 : vector<1x1x512xf32> to vector<1x512xf32>
    %swap3A_31 = vector.shape_cast %broadcast_in_dim3A : vector<1x512xf32> to vector<1x1x512xf32>
    tpu.vector_store %arg3[%swap3A, %swap3A_27, %swap3A_28], %swap3A_31 {strides = array<i32>} : memref<2x1x512xf32, #tpu.memory_space<vmem>>, vector<1x1x512xf32>,
    %get3A_32 = arith.constant 1 : index
    %get3A_33 = arith.constant 0 : index
    %get3A_34 = arith.constant 0 : index
    %get3A_35 = vector.load %arg2[%get3A_32, %get3A_33, %get3A_34] : memref<2x512x512xbf16, #tpu.memory_space<vmem>>, vector<1x512x512xbf16>
    %get3A_36 = vector.shape_cast %get3A_35 : vector<1x512x512xbf16> to vector<512x512xbf16>
    %convert_element_type3A_37 = arith.extf %get3A_36 : vector<512x512xbf16> to vector<512x512xf32>
    %get3A_38 = arith.constant 1 : index
    %get3A_39 = arith.constant 0 : index
    %get3A_40 = arith.constant 0 : index
    %get3A_41 = vector.load %arg1[%get3A_38, %get3A_39, %get3A_40] : memref<2x2048x128xf32, #tpu.memory_space<vmem>>, vector<1x2048x128xf32>
    %get3A_42 = vector.shape_cast %get3A_41 : vector<1x2048x128xf32> to vector<2048x128xf32>
    %convert_element_type3A_43 = arith.truncf %get3A_42 : vector<2048x128xf32> to vector<2048x128xbf16>
    %slice3A_44 = vector.extract_strided_slice %convert_element_type3A_43 {offsets = [0, 0], sizes = [512, 128], strides = [1, 1]} : vector<2048x128xbf16> to vector<512x128xbf16>
    %slice3A_45 = vector.extract_strided_slice %get3A_36 {offsets = [0, 0], sizes = [128, 512], strides = [1, 1]} : vector<512x512xbf16> to vector<128x512xbf16>
    %dot_general3A_46 = arith.constant dense<0.000000e+00> : vector<512x512xf32>
    %dot_general3A_47 = tpu.matmul %slice3A_44, %slice3A_45, %dot_general3A_46 {dimension_numbers = #tpu.dot_dimension_numbers<[1], [0], [0], [1], [0, 0, 1, 1], [], []>, transpose_lhs_hint = false} : vector<512x128xbf16>, vector<128x512xbf16>, vector<512x512xf32> -> vector<512x512xf32>
    %slice3A_48 = vector.extract_strided_slice %convert_element_type3A_43 {offsets = [512, 0], sizes = [512, 128], strides = [1, 1]} : vector<2048x128xbf16> to vector<512x128xbf16>
    %slice3A_49 = vector.extract_strided_slice %get3A_36 {offsets = [128, 0], sizes = [128, 512], strides = [1, 1]} : vector<512x512xbf16> to vector<128x512xbf16>
    %dot_general3A_50 = arith.constant dense<0.000000e+00> : vector<512x512xf32>
    %dot_general3A_51 = tpu.matmul %slice3A_48, %slice3A_49, %dot_general3A_50 {dimension_numbers = #tpu.dot_dimension_numbers<[1], [0], [0], [1], [0, 0, 1, 1], [], []>, transpose_lhs_hint = false} : vector<512x128xbf16>, vector<128x512xbf16>, vector<512x512xf32> -> vector<512x512xf32>
    %add3A_52 = arith.addf %dot_general3A_47, %dot_general3A_51 : vector<512x512xf32>
    %slice3A_53 = vector.extract_strided_slice %convert_element_type3A_43 {offsets = [1024, 0], sizes = [512, 128], strides = [1, 1]} : vector<2048x128xbf16> to vector<512x128xbf16>
    %slice3A_54 = vector.extract_strided_slice %get3A_36 {offsets = [256, 0], sizes = [128, 512], strides = [1, 1]} : vector<512x512xbf16> to vector<128x512xbf16>
    %dot_general3A_55 = arith.constant dense<0.000000e+00> : vector<512x512xf32>
    %dot_general3A_56 = tpu.matmul %slice3A_53, %slice3A_54, %dot_general3A_55 {dimension_numbers = #tpu.dot_dimension_numbers<[1], [0], [0], [1], [0, 0, 1, 1], [], []>, transpose_lhs_hint = false} : vector<512x128xbf16>, vector<128x512xbf16>, vector<512x512xf32> -> vector<512x512xf32>
    %add3A_57 = arith.addf %add3A_52, %dot_general3A_56 : vector<512x512xf32>
    %slice3A_58 = vector.extract_strided_slice %convert_element_type3A_43 {offsets = [1536, 0], sizes = [512, 128], strides = [1, 1]} : vector<2048x128xbf16> to vector<512x128xbf16>
    %slice3A_59 = vector.extract_strided_slice %get3A_36 {offsets = [384, 0], sizes = [128, 512], strides = [1, 1]} : vector<512x512xbf16> to vector<128x512xbf16>
    %dot_general3A_60 = arith.constant dense<0.000000e+00> : vector<512x512xf32>
    %dot_general3A_61 = tpu.matmul %slice3A_58, %slice3A_59, %dot_general3A_60 {dimension_numbers = #tpu.dot_dimension_numbers<[1], [0], [0], [1], [0, 0, 1, 1], [], []>, transpose_lhs_hint = false} : vector<512x128xbf16>, vector<128x512xbf16>, vector<512x512xf32> -> vector<512x512xf32>
    %add3A_62 = arith.addf %add3A_57, %dot_general3A_61 : vector<512x512xf32>
    %mul3A_63 = arith.mulf %convert_element_type3A_37, %add3A_62 : vector<512x512xf32>
    %reduce_sum3A_64 = arith.constant dense<0.000000e+00> : vector<512xf32>
    %reduce_sum3A_65 = vector.multi_reduction <add>, %mul3A_63, %reduce_sum3A_64 [0] : vector<512x512xf32> to vector<512xf32>
    %broadcast_in_dim3A_66 = vector.shape_cast %reduce_sum3A_65 : vector<512xf32> to vector<1x512xf32>
    %swap3A_67 = arith.constant 1 : index
    %swap3A_68 = arith.constant 0 : index
    %swap3A_69 = arith.constant 0 : index
    %swap3A_70 = vector.load %arg3[%swap3A_67, %swap3A_68, %swap3A_69] : memref<2x1x512xf32, #tpu.memory_space<vmem>>, vector<1x1x512xf32>
    %swap3A_71 = vector.shape_cast %swap3A_70 : vector<1x1x512xf32> to vector<1x512xf32>
    %swap3A_72 = vector.shape_cast %broadcast_in_dim3A_66 : vector<1x512xf32> to vector<1x1x512xf32>
    tpu.vector_store %arg3[%swap3A_67, %swap3A_68, %swap3A_69], %swap3A_72 {strides = array<i32>} : memref<2x1x512xf32, #tpu.memory_space<vmem>>, vector<1x1x512xf32>,
    return
  }
  func.func @transform_0(%arg0: i32) -> (i32, i32, i32) {
    %c0_i32 = arith.constant 0 : i32
    %c0_i32_0 = arith.constant 0 : i32
    %c0_i32_1 = arith.constant 0 : i32
    return %arg0, %c0_i32, %c0_i32_0 : i32, i32, i32
  }
  func.func @transform_1(%arg0: i32) -> (i32, i32, i32) {
    %c0_i32 = arith.constant 0 : i32
    %c0_i32_0 = arith.constant 0 : i32
    %c0_i32_1 = arith.constant 0 : i32
    return %arg0, %c0_i32, %c0_i32_0 : i32, i32, i32
  }
  func.func @transform_2(%arg0: i32) -> (i32, i32, i32) {
    %c0_i32 = arith.constant 0 : i32
    %c0_i32_0 = arith.constant 0 : i32
    %c0_i32_1 = arith.constant 0 : i32
    return %arg0, %c0_i32, %c0_i32_0 : i32, i32, i32
  }
}

</mosaic_0001>

<sc_bundles>
// kernel: kernel.5.cloned.1.call-start
scs
__scs_entry_jumppad:
0x0: {  	(pc) =	sbr.rel $0x88, $3  }
0x1: {  	(tag) =	ssettag $0x0;
	lr =	simm.s32 $0x1  }
0x2: {  	[smem:$0x3F9D] =	sst lr;
	_ =	strace $0xD0000000  }
0x3: {  	_ = 	snop  }
0x4: {  	_ = 	snop  }
0x5: {  	_ = 	snop  }
0x6: {  	_ = 	snop  }
0x7: {  	_ = 	snop  }
__scs_overlays_trampoline_lowered:
0x8: {  	[smem:$0x3FAC] =	sst s0  }
0x9: {  	[smem:$0x3FAD] =	sst s1  }
0xa: {  	[smem:$0x3FAE] =	sst s2  }
0xb: {  	[smem:$0x3FAF] =	sst s3  }
0xc: {  	[smem:$0x3FB0] =	sst s4  }
0xd: {  	[smem:$0x3FB1] =	sst s5  }
0xe: {  	[smem:$0x3FB2] =	sst s6  }
0xf: {  	[smem:$0x3FB3] =	sst s7  }
0x10: {  	[smem:$0x3FB4] =	sst s8  }
0x11: {  	[smem:$0x3FB5] =	sst s9;
	s0 =	simm.s32 @!p0 $0x0  }
0x12: {  	s1 =	sld [smem:$0x3F9B];
	s0 =	simm.s32 @p0 $0x1  }
0x13: {  	[smem:$0x3FB6] =	sst s0;
	s0 =	simm.s32 @!p1 $0x0  }
0x14: {  	s2 =	sld [smem:$0x3F9A];
	s0 =	simm.s32 @p1 $0x1  }
0x15: {  	[smem:$0x3FB7] =	sst s0;
	s0 =	simm.s32 @!p2 $0x0  }
0x16: {  	s3 =	sld [smem:$0x3FDB];
	s0 =	simm.s32 @p2 $0x1  }
0x17: {  	s4 =	simm.s32 $0x1BF5;
	[smem:$0x3FB9] =	sst s0  }
0x18: {  	s0 =	sld [smem:$0x3F9C];
	_ =	swait.ge [sflag:s4], $0x0  }
0x19: {  	s7 =	sld [smem:$0x3F9D]  }
0x1a: {  	s8 =	sadd.s32 $0xFFFFE003, lr  }
0x1b: {  	s9 =	sadd.s32 $0xFFFFFEF7, lr;
	s5 =	simm.s32 $0xFFFFFFFF;
	p2 =	slt.u32 s8, $0xFFFFF086  }
0x1c: {  	p1 =	slt.u32 s9, $0xF7A;
	s5 =	simm.s32 @!p2 $0x0  }
0x1d: {  	s5 =	simm.s32 @p1 $0x1;
	p0 =	seq.s32 s7, s2  }
0x1e: {  	s7 =	smul.u32 @!p0 $0xF7A, s2;
	p2 =	seq.s32 @!p0 s5, $0x0  }
0x1f: {  	s9 =	smul.u32 $0xF7A, s1;
	s8 =	simm.s32 @!p0 $0x1BF5;
	p2 =	por !p2, p0  }
0x20: {  	[sflag:s8] =	ssyncset.s32 @!p0 $0xFFFFF086;
	s6 =	sadd.s32 @!p0 s3, s7;
	s7 =	simm.s32 @!p0 $0x108  }
0x21: {  	s3 =	sadd.s32 s3, s9;
	s6 =	sadd.s32 @!p0 $0x88, s6;
	s7 =	simm.s32 @p2 $0x1082  }
0x22: {  	[simem:s7], [sflag:s8] =	dma.local @!p0 [hbm:s6], $0xF7A  }
0x23: {  	s9 =	sor.u32 $0xD0000000, s2;
	s6 =	simm.s32 $0x108;
	_ =	swait.ge @!p0 [sflag:s8], $0x0  }
0x24: {  	s3 =	sadd.s32 $0x88, s3;
	s6 =	simm.s32 @!p1 $0x1082;
	[sflag:s4] =	ssyncset.s32 $0xFFFFF086  }
0x25: {  	[simem:s6], [sflag:s4] =	dma.local [hbm:s3], $0xF7A  }
0x26: {  	[smem:$0x3F9D] =	sst s1;
	(tag) =	ssettag s2;
	_ =	strace s9  }
0x27: {  	s1 =	sld [smem:$0x3FAD]  }
0x28: {  	s2 =	sld [smem:$0x3FAE]  }
0x29: {  	s4 =	sld [smem:$0x3FB0]  }
0x2a: {  	p0 =	seq.s32 s5, $0x0;
	s5 =	sld [smem:$0x3FB1]  }
0x2b: {  	s6 =	sld [smem:$0x3FB2]  }
0x2c: {  	s7 =	sld [smem:$0x3FB3]  }
0x2d: {  	s3 =	simm.s32 $0x108;
	s8 =	sld [smem:$0x3FB4]  }
0x2e: {  	s3 =	simm.s32 @!p0 $0x1082;
	s9 =	sld [smem:$0x3FB5]  }
0x2f: {  	lr =	sadd.s32 s0, s3;
	s0 =	sld [smem:$0x3FAC]  }
0x30: {  	s3 =	sld [smem:$0x3FAF]  }
0x31: {  	[smem:$0x3FB8] =	sst s10  }
0x32: {  	s10 =	sld [smem:$0x3FB6];
	_ =	sdelay $0x3  }
0x33: {  	p0 =	seq.s32 s10, $0x1;
	s10 =	sld [smem:$0x3FB8];
	_ =	sdelay $0x3  }
0x34: {  	[smem:$0x3FB8] =	sst s10  }
0x35: {  	s10 =	sld [smem:$0x3FB7];
	_ =	sdelay $0x3  }
0x36: {  	p1 =	seq.s32 s10, $0x1;
	s10 =	sld [smem:$0x3FB8];
	_ =	sdelay $0x3  }
0x37: {  	[smem:$0x3FB8] =	sst s10  }
0x38: {  	s10 =	sld [smem:$0x3FB9]  }
0x39: {  	_ = 	snop;
	(pc) =	sbr.ind lr, $3  }
0x3a: {  	_ = 	snop  }
0x3b: {  	_ = 	snop  }
0x3c: {  	p2 =	seq.s32 s10, $0x1;
	s10 =	sld [smem:$0x3FB8]  }
0x3d: {  	_ =	shalt  }
0x3e: {  	_ =	shalt  }
0x3f: {  	_ =	shalt  }
0x40: {  	_ =	shalt  }
0x41: {  	_ =	shalt  }
0x42: {  	_ =	shalt  }
0x43: {  	_ =	shalt  }
0x44: {  	_ =	shalt  }
0x45: {  	_ =	shalt  }
0x46: {  	_ =	shalt  }
0x47: {  	_ =	shalt  }
0x48: {  	_ =	shalt  }
0x49: {  	_ =	shalt  }
0x4a: {  	_ =	shalt  }
0x4b: {  	_ =	shalt  }
0x4c: {  	_ =	shalt  }
0x4d: {  	_ =	shalt  }
0x4e: {  	_ =	shalt  }
0x4f: {  	_ =	shalt  }
0x50: {  	_ =	shalt  }
0x51: {  	_ =	shalt  }
0x52: {  	_ =	shalt  }
0x53: {  	_ =	shalt  }
0x54: {  	_ =	shalt  }
0x55: {  	_ =	shalt  }
0x56: {  	_ =	shalt  }
0x57: {  	_ =	shalt  }
0x58: {  	_ =	shalt  }
0x59: {  	_ =	shalt  }
0x5a: {  	_ =	shalt  }
0x5b: {  	_ =	shalt  }
0x5c: {  	_ =	shalt  }
0x5d: {  	_ =	shalt  }
0x5e: {  	_ =	shalt  }
0x5f: {  	_ =	shalt  }
0x60: {  	_ =	shalt  }
0x61: {  	_ =	shalt  }
0x62: {  	_ =	shalt  }
0x63: {  	_ =	shalt  }
0x64: {  	_ =	shalt  }
0x65: {  	_ =	shalt  }
0x66: {  	_ =	shalt  }
0x67: {  	_ =	shalt  }
0x68: {  	_ =	shalt  }
0x69: {  	_ =	shalt  }
0x6a: {  	_ =	shalt  }
0x6b: {  	_ =	shalt  }
0x6c: {  	_ =	shalt  }
0x6d: {  	_ =	shalt  }
0x6e: {  	_ =	shalt  }
0x6f: {  	_ =	shalt  }
0x70: {  	_ =	shalt  }
0x71: {  	_ =	shalt  }
0x72: {  	_ =	shalt  }
0x73: {  	_ =	shalt  }
0x74: {  	_ =	shalt  }
0x75: {  	_ =	shalt  }
0x76: {  	_ =	shalt  }
0x77: {  	_ =	shalt  }
0x78: {  	_ =	shalt  }
0x79: {  	_ =	shalt  }
0x7a: {  	_ =	shalt  }
0x7b: {  	_ =	shalt  }
0x7c: {  	_ =	shalt  }
0x7d: {  	_ =	shalt  }
0x7e: {  	_ =	shalt  }
0x7f: {  	_ =	shalt  }
0x80: {  	_ =	shalt  }
0x81: {  	_ =	shalt  }
0x82: {  	_ =	shalt  }
0x83: {  	_ =	shalt  }
0x84: {  	_ =	shalt  }
0x85: {  	_ =	shalt  }
0x86: {  	_ =	shalt  }
0x87: {  	_ =	shalt  }
.Lfunc_end0:
.L_simem_size_0:
called_computation_lowered:
.L_overlay_start_0:
0x88: {  	s2 =	sld [smem:$0x3FD9]  }
0x89: {  	s3 =	sld [smem:$0x3FFE];
	_ =	sdelay $0x1  }
0x8a: {  	s1 =	srdreg.scid  }
0x8b: {  	s0 =	sand.u32 $0x1, s1  }
0x8c: {  	s17 =	sshll.u32 s0, $0xA;
	s2 =	sadd.s32 s3, s2  }
0x8d: {  	s2 =	sadd.s32 s2, s17  }
0x8e: {  	[smem:$0x3FC4] =	sst s2  }
0x8f: {  	_ = 	snop  }
0x90: {  	s2 =	sld [smem:$0x3FC8];
	(tm) =	ssettm $0x1  }
0x91: {  	s18 =	sld [smem:$0x3FFB];
	_ =	sdelay $0x3  }
0x92: {  	_ =	strace s18  }
0x93: {  	s3 =	sld [smem:$0x3FFC];
	_ =	sdelay $0x3  }
0x94: {  	_ =	strace s3  }
0x95: {  	s3 =	sld [smem:$0x3FFD];
	_ =	sdelay $0x3  }
0x96: {  	_ =	strace s3  }
0x97: {  	_ =	strace $0x8FFFFFFF  }
0x98: {  	s19 =	sld [smem:$0x3FDB];
	_ =	sdelay $0x1  }
0x99: {  	s4 =	simm.s32 $_scs_section_size  }
0x9a: {  	s5 =	simm.s32 $_size__tile_overlayer_lowered;
	s6 =	simm.s32 $_tile_overlayer_lowered  }
0x9b: {  	s22 =	simm.s32 $0x1BFF;
	s21 =	sshll.u32 s6, $0x1;
	s3 =	sadd.s32 s4, s19  }
0x9c: {  	s7 =	simm.s32 $0x0;
	s20 =	sshll.u32 s5, $0x1;
	s5 =	sadd.s32 s21, s3  }
0x9d: {  	[timem:s7], [sflag:s22] =	dma.local [hbm:s5], s20  }
0x9e: {  	_ =	swait.ge [sflag:s22], s20  }
0x9f: {  	s4 =	ssub.s32 $0x0, s20;
	[sflag:s22] =	ssyncset.done $0x0  }
0xa0: {  	[sflag:s22] =	ssyncadd.s32 s4;
	_ =	sdelay $0x1  }
0xa1: {  	s23 =	simm.s32 $0x1B8B  }
0xa2: {  	_ =	swait.ge [sflag:s23], $0x1  }
0xa3: {  	[sflag:s23] =	ssyncset.done $0x0  }
0xa4: {  	s25 =	simm.s32 $0x1B8E;
	s24 =	sld [smem:$0x3FFE];
	[sflag:s23] =	ssyncadd.s32 $0xFFFFFFFF  }
0xa5: {  	s26 =	simm.s32 $execute0_lowered;
	[smem:$0x3FD2] =	sst s25  }
0xa6: {  	s5 =	sshll.u32 s26, $0x1;
	_ =	strace $0x80000046;
	[dreg:$0x1] =	wrdreg $0xFFFFFFFF  }
0xa7: {  	s28 =	simm.s32 $_size_execute0_lowered;
	s3 =	sadd.s32 s3, s5;
	[dreg:$0x0] =	wrdreg $0x0  }
0xa8: {  	s5 =	sshll.u32 s28, $0x1;
	[dreg:$0x2] =	wrdreg s3  }
0xa9: {  	[dreg:$0x3] =	wrdreg s5  }
0xaa: {  	[dreg:$0x4] =	wrdreg $0xC0  }
0xab: {  	_ =	task [dreg:s7], $0x5FFFF  }
0xac: {  	[dreg:$0x1] =	wrdreg $0xFFFFFFFF  }
0xad: {  	[dreg:$0x0] =	wrdreg $0x60  }
0xae: {  	[dreg:$0x2] =	wrdreg s2  }
0xaf: {  	[dreg:$0x3] =	wrdreg s24  }
0xb0: {  	[dreg:$0x4] =	wrdreg $0x9  }
0xb1: {  	_ =	task.clear_ibuf [dreg:s7], $0x5FFFF;
	_ =	strace $0x90000046  }
0xb2: {  	s29 =	simm.s32 $0x9;
	_ =	strace $0x80000050  }
0xb3: {  	_ =	swait.ge [sflag:s29], $0x1  }
0xb4: {  	[sflag:s29] =	ssyncadd.s32 $0xFFFFFFFF  }
0xb5: {  	_ =	strace $0x90000050  }
0xb6: {  	_ =	sfence  }
0xb7: {  	s30 =	sld [smem:$0x0];
	_ =	sdelay $0x2  }
0xb8: {  	s31 =	sshll.u32 s1, $0xD;
	s1 =	sshrl.u32 s1, $0x2  }
0xb9: {  	s3 =	sand.u32 $0x4000, s31;
	s1 =	sadd.s32 s1, s30  }
0xba: {  	s0 =	sor.u32 s3, s0;
	s1 =	sshll.u32 s1, $0x11  }
0xbb: {  	s0 =	sor.u32 s1, s0  }
0xbc: {  	s0 =	sadd.s32 $0x8F2B, s0  }
0xbd: {  	[sflag:s0] =	ssyncadd.remote.s32 $0x1  }
0xbe: {  	_ =	sfence.sel $0xFFFF  }
0xbf: {  	[dreg:$0x0] =	wrdreg $0xFFFFFFFF;
	(pc) =	sbr.abs _section_cstart, $3  }
0xc0: {  	[dreg:$0x1] =	wrdreg $0xFFFFFFFF  }
0xc1: {  	_ =	task.clear_ibuf [dreg:s7], $0x2FFFF;
	_ =	strace $0x9FFFFFFF  }
0xc2: {  	(tm) =	ssettm $0x7FFFFFFF  }
0xc3: {  	_ =	shalt  }
tec
execute0_lowered:
.L_overlay_start_1:
0x0: {  	(tag) =	ssettag $0x1  }
0x1: {  	s0 =	rddreg [dreg:$0x0]  }
0x2: {  	s1 =	rddreg [dreg:$0x1];
	s2 =	simm.s32 $0x0;
	s3 =	srdreg.scid  }
0x3: {  	s5 =	stileid.u32;
	s28 =	simm.s32 $0x1;
	s30 =	simm.s32 $0x2  }
0x4: {  	s31 =	simm.s32 $0x2000;
	[smem:$0x7FF] =	sst s2;
	s6 =	sand.u32 $0x1, s3  }
0x5: {  	s3 =	sadd.s32 $0xC00, s1;
	s4 =	sshll.u32 s5, $0xE;
	s5 =	sshll.u32 s5, $0xB  }
0x6: {  	_ =	strace $0x80000047;
	s11 =	sshll.u32 s6, $0x12;
	s7 =	ssub.s32 $0x2, s6  }
0x7: {  	s1 =	sor.u32 s4, s11;
	s8 =	sshrl.u32 s7, $0x1;
	s4 =	sadd.s32 s0, s5  }
0x8: {  	s0 =	simm.s32 $0x3;
	s5 =	sadd.s32 s3, s1;
	s21 =	sadd.s32 $0x10, s4  }
0x9: {  	s12 =	ssub.s32 s7, s8;
	[dreg:$0x3] =	wrdreg s21;
	s22 =	sadd.s32 $0x400, s5  }
0xa: {  	s23 =	sadd.s32 $0x800, s5;
	s24 =	sadd.s32 $0xC00, s5;
	s25 =	sadd.s32 $0x1000, s5  }
0xb: {  	s26 =	sadd.s32 $0x1400, s5;
	s29 =	sadd.s32 $0x1800, s5;
	[dreg:$0x4] =	wrdreg s22  }
0xc: {  	s13 =	sadd.s32 $0x1C00, s5;
	s14 =	sadd.s32 $0x2000, s5;
	[dreg:$0x5] =	wrdreg s23  }
.Ltmp0:
0xd: {  	s15 =	sadd.s32 $0x2400, s5;
	[dreg:$0x6] =	wrdreg s24;
	(pc) =	sbr.rel .LBB2_1-.Ltmp0, $4  }
0xe: {  	s16 =	sadd.s32 $0x2800, s5;
	s17 =	sadd.s32 $0x2C00, s5;
	[dreg:$0x7] =	wrdreg s25  }
0xf: {  	s18 =	sadd.s32 $0x3000, s5;
	s19 =	sadd.s32 $0x3400, s5;
	[dreg:$0x8] =	wrdreg s26  }
0x10: {  	v1 =	vimm.f32 $0.0e+00;
	v2 =	vimm.f32 $1.000000000e+00;
	s20 =	sadd.s32 $0x3800, s5;
	s21 =	sadd.s32 $0x3C00, s5;
	[dreg:$0x9] =	wrdreg s29  }
0x11: {  	v3 =	vimm.s32 $0x0;
	v4 =	vlaneseq.u32;
	v0 =	vmov s6;
	s22 =	smax.u32 s12, $0x1;
	s23 =	simm.s32 $0x80;
	s24 =	simm.s32 $0x100  }
.LBB2_15:
0x12: {  	[sflag:s0] =	ssyncadd.s32 $0xFFFFFF80  }
.LBB2_16:
0x13: {  	s2 =	sadd.s32 $0x1, s2  }
0x14: {  	p0 =	sne.s32 s2, s22  }
.Ltmp1:
0x15: {  	_ = 	snop;
	(pc) =	sbr.rel @!p0 .LBB2_17-.Ltmp1, $2  }
0x16: {  	_ =	sdelay $0x2  }
0x17: {  	_ =	strace $0x9000004F  }
.LBB2_1:
0x18: {  	s1 =	simm.s32 $0x2080  }
0x19: {  	[tilespmem:s1], [sflag:$0x1] =	stream.strided.gather [hbm4b:s4+s23], $0x2000, s24, s23, $0x38;
	[tilespmem:$0xA100] =	vst v63  }
0x1a: {  	s29 =	rddreg [dreg:$0x3];
	s6 =	simm.s32 $0x4080  }
0x1b: {  	[tilespmem:s6], [sflag:$0x1] =	stream.strided.gather [hbm4b:s29+s23], $0x2000, s24, s23, $0x38;
	[tilespmem:$0xA100] =	vst v63  }
0x1c: {  	s1 =	simm.s32 $0x0;
	s6 =	simm.s32 $0x100;
	_ =	strace $0x80000048  }
.LBB2_2:
0x1d: {  	p0 =	sne.s32 s6, $0x7F00;
	[tilespmem:s1+$0x30] =	vst v1;
	s25 =	smov.u32 s6;
	s6 =	sadd.s32 $0x100, s6  }
.Ltmp2:
0x1e: {  	[tilespmem:s1+$0x20] =	vst v1;
	(pc) =	sbr.rel @p0 .LBB2_2-.Ltmp2, $3  }
0x1f: {  	[tilespmem:s1+$0x0] =	vst v1  }
0x20: {  	[tilespmem:s1+$0x10] =	vst v1;
	_ =	sdelay $0x1  }
0x21: {  	s1 =	sshra.s32 s25, $0x2  }
0x22: {  	[tilespmem:s1+$0x30] =	vst v1  }
0x23: {  	[tilespmem:s1+$0x20] =	vst v1  }
0x24: {  	[tilespmem:s1+$0x0] =	vst v1  }
0x25: {  	[tilespmem:s1+$0x10] =	vst v1  }
0x26: {  	[tilespmem:$0x2000] =	vst v2  }
0x27: {  	[tilespmem:$0x2010] =	vst v2  }
0x28: {  	[tilespmem:$0x2020] =	vst v2  }
0x29: {  	[tilespmem:$0x2030] =	vst v2  }
0x2a: {  	[tilespmem:$0x2040] =	vst v2  }
0x2b: {  	[tilespmem:$0x2050] =	vst v2  }
0x2c: {  	[tilespmem:$0x2060] =	vst v2  }
0x2d: {  	[tilespmem:$0x2070] =	vst v2  }
0x2e: {  	s1 =	simm.s32 $0x0;
	_ =	strace $0x90000048  }
0x2f: {  	[hbm4b:s5+s1] =	stream.linear.scatter [tilespmem:s1], [sflag:$0x2], $0x2000, $0x38;
	[tilespmem:$0xA100] =	vst v63  }
0x30: {  	s6 =	rddreg [dreg:$0x4]  }
0x31: {  	[hbm4b:s6+s1] =	stream.linear.scatter [tilespmem:s1], [sflag:$0x2], $0x2000, $0x38;
	[tilespmem:$0xA100] =	vst v63  }
0x32: {  	s11 =	rddreg [dreg:$0x5]  }
0x33: {  	[hbm4b:s11+s1] =	stream.linear.scatter [tilespmem:s1], [sflag:$0x2], $0x2000, $0x38;
	[tilespmem:$0xA100] =	vst v63  }
0x34: {  	s12 =	rddreg [dreg:$0x6]  }
0x35: {  	[hbm4b:s12+s1] =	stream.linear.scatter [tilespmem:s1], [sflag:$0x2], $0x2000, $0x38;
	[tilespmem:$0xA100] =	vst v63  }
0x36: {  	s25 =	rddreg [dreg:$0x7]  }
0x37: {  	[hbm4b:s25+s1] =	stream.linear.scatter [tilespmem:s1], [sflag:$0x2], $0x2000, $0x38;
	[tilespmem:$0xA100] =	vst v63  }
0x38: {  	s26 =	rddreg [dreg:$0x8]  }
0x39: {  	[hbm4b:s26+s1] =	stream.linear.scatter [tilespmem:s1], [sflag:$0x2], $0x2000, $0x38;
	[tilespmem:$0xA100] =	vst v63  }
0x3a: {  	s29 =	rddreg [dreg:$0x9]  }
0x3b: {  	[hbm4b:s29+s1] =	stream.linear.scatter [tilespmem:s1], [sflag:$0x2], $0x2000, $0x38;
	[tilespmem:$0xA100] =	vst v63  }
0x3c: {  	_ = 	snop  }
0x3d: {  	[hbm4b:s13+s1] =	stream.linear.scatter [tilespmem:s1], [sflag:$0x2], $0x2000, $0x38;
	[tilespmem:$0xA100] =	vst v63  }
0x3e: {  	_ = 	snop  }
0x3f: {  	[hbm4b:s14+s1] =	stream.linear.scatter [tilespmem:s1], [sflag:$0x2], $0x2000, $0x38;
	[tilespmem:$0xA100] =	vst v63  }
0x40: {  	_ = 	snop  }
0x41: {  	[hbm4b:s15+s1] =	stream.linear.scatter [tilespmem:s1], [sflag:$0x2], $0x2000, $0x38;
	[tilespmem:$0xA100] =	vst v63  }
0x42: {  	_ = 	snop  }
0x43: {  	[hbm4b:s16+s1] =	stream.linear.scatter [tilespmem:s1], [sflag:$0x2], $0x2000, $0x38;
	[tilespmem:$0xA100] =	vst v63  }
0x44: {  	_ = 	snop  }
0x45: {  	[hbm4b:s17+s1] =	stream.linear.scatter [tilespmem:s1], [sflag:$0x2], $0x2000, $0x38;
	[tilespmem:$0xA100] =	vst v63  }
0x46: {  	_ = 	snop  }
0x47: {  	[hbm4b:s18+s1] =	stream.linear.scatter [tilespmem:s1], [sflag:$0x2], $0x2000, $0x38;
	[tilespmem:$0xA100] =	vst v63  }
0x48: {  	_ = 	snop  }
0x49: {  	[hbm4b:s19+s1] =	stream.linear.scatter [tilespmem:s1], [sflag:$0x2], $0x2000, $0x38;
	[tilespmem:$0xA100] =	vst v63  }
0x4a: {  	_ = 	snop  }
0x4b: {  	[hbm4b:s20+s1] =	stream.linear.scatter [tilespmem:s1], [sflag:$0x2], $0x2000, $0x38;
	[tilespmem:$0xA100] =	vst v63  }
0x4c: {  	_ = 	snop  }
0x4d: {  	[hbm4b:s21+s1] =	stream.linear.scatter [tilespmem:s1], [sflag:$0x2], $0x2000, $0x38;
	[tilespmem:$0xA100] =	vst v63  }
0x4e: {  	_ =	strace $0x80000049  }
0x4f: {  	_ =	swait.ge [sflag:s28], $0x2000  }
0x50: {  	[sflag:s28] =	ssyncset.done $0x0  }
0x51: {  	[sflag:s28] =	ssyncadd.s32 $0xFFFFE000  }
0x52: {  	_ =	swait.ge [sflag:s28], $0x2000  }
0x53: {  	[sflag:s28] =	ssyncset.done $0x0  }
0x54: {  	[sflag:s28] =	ssyncadd.s32 $0xFFFFE000  }
0x55: {  	_ =	strace $0x90000049  }
0x56: {  	s25 =	simm.s32 $0x0;
	_ =	strace $0x8000004A  }
0x57: {  	v8 =	vld [tilespmem:s25+$0x20A0]  }
0x58: {  	v9 =	vld [tilespmem:s25+$0x40A0]  }
0x59: {  	v10 =	vld [tilespmem:s25+$0x20D0]  }
0x5a: {  	v5 =	vld [tilespmem:s25+$0x40C0]  }
0x5b: {  	v13 =	vld [tilespmem:s25+$0x20C0]  }
0x5c: {  	v17 =	vld [tilespmem:s25+$0x2080]  }
0x5d: {  	v12 =	vshll.u32 v8, $0x7  }
0x5e: {  	v6 =	vld [tilespmem:s25+$0x4090];
	v7 =	vshra.s32 v10, $0x9;
	v24 =	vshra.s32 v10, $0xC;
	v10 =	vshll.u32 v10, $0x7  }
0x5f: {  	v14 =	vld [tilespmem:s25+$0x2090];
	v15 =	vshra.s32 v9, $0x9;
	v16 =	vshra.s32 v5, $0x9;
	v18 =	vshll.u32 v5, $0x9  }
0x60: {  	v11 =	vshra.s32 v8, $0x9;
	v19 =	vshra.s32 v13, $0x9;
	v20 =	vshra.s32 v13, $0xC  }
0x61: {  	v8 =	vshra.s32 v8, $0xC;
	v22 =	vshra.s32 v17, $0xC;
	vm1 =	veq.s32 v11, v15  }
0x62: {  	vm0 =	veq.s32 v19, v16;
	v21 =	vshll.u32 v19, $0x12;
	v18 =	vand.u32 $0x30000, v18  }
0x63: {  	v15 =	vshll.u32 v13, $0x7;
	v13 =	vld [tilespmem:s25+$0x4080];
	v16 =	vshra.s32 v6, $0x9;
	vm2 =	veq.s32 v8, v0  }
0x64: {  	v19 =	vshra.s32 v14, $0x9;
	vm3 =	veq.s32 v20, v0;
	v8 =	vld [tilespmem:s25+$0x40D0];
	v20 =	vshll.u32 v14, $0x7  }
0x65: {  	v15 =	vand.u32 $0xFF80, v15;
	vm4 =	veq.s32 v19, v16;
	v16 =	vshra.s32 v14, $0xC  }
0x66: {  	vm0 =	vmand vm3, vm0;
	vm1 =	vmand vm2, vm1;
	v14 =	vld [tilespmem:s25+$0x40B0];
	v18 =	vor.u32 v21, v18  }
0x67: {  	v25 =	vld [tilespmem:s25+$0x20B0];
	vm3 =	veq.s32 v16, v0;
	v16 =	vshra.s32 v17, $0x9;
	v23 =	vsel vm1, $0x1, v3  }
0x68: {  	s26 =	simm.s32 $0x200;
	v27 =	vsel vm0, $0x1, v3;
	vm2 =	vmand vm3, vm4;
	(xrf0) =	vadd.scan.msk.s32 $0xffff, v23;
	v26 =	vshra.s32 v13, $0x9  }
.LBB2_4:
0x69: {  	p0 =	sne.s32 s26, $0x7E00;
	v28 =	vshll.u32 v6, $0x9;
	v23 =	vshra.s32 v8, $0x9;
	v21 =	vld [tilespmem:s25+$0x40E0];
	(xrf0) =	vadd.scan.msk.s32 $0xffff, v27;
	s29 =	smov.u32 s26;
	s26 =	sadd.s32 $0x200, s26  }
0x6a: {  	vm4 =	veq.s32 v22, v0;
	v22 =	vsel vm2, $0x1, v3;
	vm3 =	veq.s32 v7, v23;
	v23 =	vld [tilespmem:s25+$0x20E0]  }
0x6b: {  	vm5 =	veq.s32 v16, v26;
	v26 =	vshra.s32 v14, $0x9;
	v27 =	vshll.u32 v14, $0x9;
	(xrf0) =	vadd.scan.msk.s32 $0xffff, v22  }
0x6c: {  	vm6 =	veq.s32 v24, v0;
	v29 =	vshra.s32 v25, $0x9;
	v22 =	vshra.s32 v25, $0xC  }
0x6d: {  	vm3 =	vmand vm6, vm3;
	vm7 =	veq.s32 v29, v26;
	vm8 =	veq.s32 v22, v0  }
0x6e: {  	vm6 =	vmand vm4, vm5;
	v24 =	vand.u32 $0x30000, v27;
	vm4 =	vmand vm8, vm7;
	v22 =	vld [tilespmem:s25+$0x40F0];
	v26, _, _ =	vpop (xrf0)  }
0x6f: {  	v35 =	vsel vm6, $0x1, v3;
	v30 =	vsel vm4, $0x1, v3;
	v31 =	vld [tilespmem:s25+$0x20F0];
	(v2sf) =	vpush v26, $0xF;
	v26, _, _ =	vpop (xrf0)  }
0x70: {  	v32 =	vsel vm3, $0x1, v3;
	v33 =	vshra.s32 v23, $0x9;
	v34 =	vshra.s32 v23, $0xC;
	(xrf0) =	vadd.scan.msk.s32 $0xffff, v30  }
0x71: {  	v25 =	vshll.u32 v25, $0x7;
	v30 =	vshra.s32 v21, $0x9;
	vm5 =	veq.s32 v34, v0;
	(xrf0) =	vadd.scan.msk.s32 $0xffff, v35;
	v27, _, _ =	vpop (xrf0)  }
0x72: {  	vm7 =	veq.s32 v33, v30;
	v30 =	vshll.u32 v21, $0x9;
	(v2sf) =	vpush v27, $0xF;
	(xrf0) =	vadd.scan.msk.s32 $0xffff, v32  }
0x73: {  	vm5 =	vmand vm5, vm7;
	v27 =	vand.u32 $0x30000, v30;
	v30 =	vshll.u32 v22, $0x9  }
0x74: {  	v29 =	vshll.u32 v29, $0x12;
	v32 =	vsel vm5, $0x1, v3;
	v30 =	vand.u32 $0x30000, v30  }
0x75: {  	v17 =	vshll.u32 v17, $0x7;
	v24 =	vor.u32 v29, v24;
	v29 =	vshll.u32 v33, $0x12;
	(xrf0) =	vadd.scan.msk.s32 $0xffff, v32  }
0x76: {  	v20 =	vand.u32 $0xFF80, v20;
	v28 =	vand.u32 $0x30000, v28;
	v32 =	vshra.s32 v22, $0x9;
	v33, _, _ =	vpop (xrf0)  }
0x77: {  	v19 =	vshll.u32 v19, $0x12;
	v34 =	vshra.s32 v31, $0x9;
	v35, _, _ =	vpop (xrf0);
	(v2sf) =	vpush v33, $0xF  }
0x78: {  	v27 =	vor.u32 v29, v27;
	v29 =	vshll.u32 v34, $0x12;
	(v2sf) =	vpush v35, $0xF;
	v33, _, _ =	vpop (xrf0)  }
0x79: {  	vm7 =	veq.s32 v34, v32;
	v32 =	vshra.s32 v31, $0xC;
	v31 =	vshll.u32 v31, $0x7  }
0x7a: {  	s25 =	sshra.s32 s29, $0x2;
	v29 =	vor.u32 v29, v30;
	vm8 =	veq.s32 v32, v0;
	v30 =	vand.u32 $0xFF80, v31  }
0x7b: {  	vm7 =	vmand vm8, vm7;
	v29 =	vor.u32 v30, v29;
	(v2sf) =	vpush v26, $0xF;
	v26, _, _ =	vpop (xrf0)  }
0x7c: {  	v15 =	vor.u32 v15, v18;
	v18 =	vsel vm7, $0x1, v3;
	(v2sf) =	vpush v26, $0xF  }
0x7d: {  	v19 =	vor.u32 v19, v28;
	(v2sf) =	vpush v33, $0xF;
	(xrf0) =	vadd.scan.msk.s32 $0xffff, v18  }
0x7e: {  	v12 =	vand.u32 $0xFF80, v12;
	v18 =	vor.u32 v20, v19;
	v19 =	vand.u32 $0x7F, v9;
	s6 =	spop (v2sf)  }
0x7f: {  	v10 =	vand.u32 $0xFF80, v10;
	v20 =	vshll.u32 v13, $0x9;
	v9 =	vshll.u32 v9, $0x9  }
0x80: {  	v16 =	vshll.u32 v16, $0x12;
	v20 =	vand.u32 $0x30000, v20;
	v9 =	vand.u32 $0x30000, v9  }
0x81: {  	v11 =	vshll.u32 v11, $0x12;
	v17 =	vand.u32 $0xFF80, v17;
	v16 =	vor.u32 v16, v20;
	s29 =	spop (v2sf)  }
0x82: {  	v9 =	vor.u32 v11, v9;
	v16 =	vor.u32 v17, v16;
	v17 =	vand.u32 $0x7F, v13  }
0x83: {  	v6 =	vand.u32 $0x7F, v6;
	v7 =	vshll.u32 v7, $0x12;
	v11 =	vor.u32 v17, v16;
	v13, _, _ =	vpop (xrf0)  }
0x84: {  	v6 =	vor.u32 v6, v18;
	v16 =	vand.u32 $0xFF80, v25;
	v17 =	vshll.u32 v8, $0x9;
	[tilespmem:s1+$0x6080] =	vst.msk vm6, v11  }
0x85: {  	v14 =	vand.u32 $0x7F, v14;
	v11 =	vor.u32 v16, v24;
	v16 =	vand.u32 $0x30000, v17  }
0x86: {  	v9 =	vor.u32 v12, v9;
	v11 =	vor.u32 v14, v11;
	v7 =	vor.u32 v7, v16;
	s7 =	spop (v2sf)  }
0x87: {  	v9 =	vor.u32 v19, v9;
	v8 =	vand.u32 $0x7F, v8;
	v7 =	vor.u32 v10, v7;
	s8 =	spop (v2sf)  }
0x88: {  	v12 =	vand.u32 $0x7F, v21;
	v10 =	vshll.u32 v23, $0x7;
	s1 =	sadd.s32 s1, s8;
	(v2sf) =	vpush v13, $0xF  }
0x89: {  	v7 =	vor.u32 v8, v7;
	v8 =	vand.u32 $0xFF80, v10;
	[tilespmem:s1+$0x6080] =	vst.msk vm2, v6;
	s1 =	sadd.s32 s1, s29  }
0x8a: {  	v5 =	vand.u32 $0x7F, v5;
	v6 =	vor.u32 v8, v27;
	[tilespmem:s1+$0x6080] =	vst.msk vm1, v9;
	s1 =	sadd.s32 s1, s6;
	s6 =	spop (v2sf)  }
0x8b: {  	v5 =	vor.u32 v5, v15;
	v6 =	vor.u32 v12, v6;
	[tilespmem:s1+$0x6080] =	vst.msk vm4, v11;
	s1 =	sadd.s32 s1, s7;
	s7 =	spop (v2sf)  }
0x8c: {  	[tilespmem:s1+$0x6080] =	vst.msk vm0, v5;
	s1 =	sadd.s32 s1, s6;
	s6 =	spop (v2sf)  }
0x8d: {  	v5 =	vand.u32 $0x7F, v22;
	[tilespmem:s1+$0x6080] =	vst.msk vm3, v7;
	s1 =	sadd.s32 s1, s6  }
0x8e: {  	v5 =	vor.u32 v5, v29;
	[tilespmem:s1+$0x6080] =	vst.msk vm5, v6;
	s1 =	sadd.s32 s1, s7  }
0x8f: {  	[tilespmem:s1+$0x6080] =	vst.msk vm7, v5  }
0x90: {  	v8 =	vld [tilespmem:s25+$0x20A0]  }
0x91: {  	v9 =	vld [tilespmem:s25+$0x40A0]  }
0x92: {  	v10 =	vld [tilespmem:s25+$0x20D0]  }
0x93: {  	v5 =	vld [tilespmem:s25+$0x40C0]  }
0x94: {  	v14 =	vld [tilespmem:s25+$0x20C0]  }
0x95: {  	v12 =	vshll.u32 v8, $0x7  }
0x96: {  	v6 =	vld [tilespmem:s25+$0x4090]  }
0x97: {  	v16 =	vld [tilespmem:s25+$0x2090];
	v7 =	vshra.s32 v10, $0x9;
	v24 =	vshra.s32 v10, $0xC;
	v10 =	vshll.u32 v10, $0x7;
	s6 =	spop (v2sf)  }
0x98: {  	v15 =	vshra.s32 v9, $0x9;
	v17 =	vld [tilespmem:s25+$0x2080];
	v18 =	vshra.s32 v5, $0x9;
	v19 =	vshll.u32 v5, $0x9;
	s1 =	sadd.s32 s1, s6  }
0x99: {  	v11 =	vshra.s32 v8, $0x9;
	v20 =	vshra.s32 v14, $0x9;
	v21 =	vshra.s32 v14, $0xC  }
0x9a: {  	vm1 =	veq.s32 v11, v15;
	v13 =	vld [tilespmem:s25+$0x4080];
	vm0 =	veq.s32 v20, v18;
	v18 =	vshll.u32 v20, $0x12  }
0x9b: {  	v8 =	vshra.s32 v8, $0xC;
	v23 =	vand.u32 $0x30000, v19;
	v14 =	vshll.u32 v14, $0x7  }
0x9c: {  	vm2 =	veq.s32 v8, v0;
	v15 =	vand.u32 $0xFF80, v14;
	v20 =	vshra.s32 v6, $0x9  }
.Ltmp3:
0x9d: {  	vm3 =	veq.s32 v21, v0;
	v19 =	vshra.s32 v16, $0x9;
	v22 =	vshra.s32 v17, $0xC;
	v8 =	vld [tilespmem:s25+$0x40D0];
	(pc) =	sbr.rel @p0 .LBB2_4-.Ltmp3, $4  }
0x9e: {  	vm0 =	vmand vm3, vm0;
	v14 =	vshra.s32 v16, $0xC;
	vm4 =	veq.s32 v19, v20  }
0x9f: {  	vm1 =	vmand vm2, vm1;
	vm3 =	veq.s32 v14, v0;
	v20 =	vshll.u32 v16, $0x7;
	v14 =	vld [tilespmem:s25+$0x40B0]  }
0xa0: {  	v21 =	vsel vm1, $0x1, v3;
	v18 =	vor.u32 v18, v23;
	v16 =	vshra.s32 v17, $0x9;
	v25 =	vld [tilespmem:s25+$0x20B0]  }
0xa1: {  	v27 =	vsel vm0, $0x1, v3;
	vm2 =	vmand vm3, vm4;
	v26 =	vshra.s32 v13, $0x9;
	(xrf0) =	vadd.scan.msk.s32 $0xffff, v21  }
0xa2: {  	_ =	sdelay $0x1  }
0xa3: {  	v21 =	vld [tilespmem:s25+$0x40E0];
	vm3 =	veq.s32 v22, v0  }
0xa4: {  	v23 =	vld [tilespmem:s25+$0x20E0];
	v53 =	vshra.s32 v14, $0x9;
	v29 =	vshra.s32 v25, $0x9;
	v30 =	vshra.s32 v25, $0xC  }
0xa5: {  	vm4 =	veq.s32 v16, v26;
	vm5 =	veq.s32 v29, v53;
	vm6 =	veq.s32 v30, v0  }
0xa6: {  	(xrf0) =	vadd.scan.msk.s32 $0xffff, v27;
	v54 =	vsel vm2, $0x1, v3;
	v22 =	vld [tilespmem:s25+$0x40F0];
	vm7 =	vmand vm3, vm4;
	vm4 =	vmand vm6, vm5  }
0xa7: {  	v28 =	vshra.s32 v8, $0x9;
	v57 =	vld [tilespmem:s25+$0x20F0];
	(xrf0) =	vadd.scan.msk.s32 $0xffff, v54;
	v56 =	vsel vm4, $0x1, v3  }
0xa8: {  	vm15 =	veq.s32 v24, v0;
	vm14 =	veq.s32 v7, v28;
	v55 =	vsel vm7, $0x1, v3;
	(xrf0) =	vadd.scan.msk.s32 $0xffff, v56  }
0xa9: {  	v58 =	vshra.s32 v23, $0x9;
	v31 =	vshra.s32 v23, $0xC;
	v59 =	vshra.s32 v21, $0x9;
	(xrf0) =	vadd.scan.msk.s32 $0xffff, v55  }
0xaa: {  	vm5 =	vmand vm15, vm14;
	vm12 =	veq.s32 v31, v0;
	vm8 =	veq.s32 v58, v59  }
0xab: {  	v60, _, _ =	vpop (xrf0);
	v36 =	vshra.s32 v22, $0x9;
	v61 =	vsel vm5, $0x1, v3;
	vm13 =	vmand vm12, vm8  }
0xac: {  	v32 =	vshra.s32 v57, $0x9;
	v33 =	vshra.s32 v57, $0xC;
	v63, _, _ =	vpop (xrf0);
	v62 =	vsel vm13, $0x1, v3;
	(xrf0) =	vadd.scan.msk.s32 $0xffff, v61  }
0xad: {  	(v2sf) =	vpush v60, $0xF;
	vm14 =	veq.s32 v32, v36;
	vm15 =	veq.s32 v33, v0;
	v37, _, _ =	vpop (xrf0);
	(xrf0) =	vadd.scan.msk.s32 $0xffff, v62  }
0xae: {  	vm6 =	vmand vm15, vm14;
	(v2sf) =	vpush v37, $0xF;
	v38, _, _ =	vpop (xrf0)  }
0xaf: {  	v40 =	vsel vm6, $0x1, v3;
	v39, _, _ =	vpop (xrf0);
	(v2sf) =	vpush v38, $0xF  }
0xb0: {  	(xrf0) =	vadd.scan.msk.s32 $0xffff, v40;
	(v2sf) =	vpush v39, $0xF;
	_ =	sdelay $0x1  }
0xb1: {  	v41, _, _ =	vpop (xrf0)  }
0xb2: {  	(v2sf) =	vpush v63, $0xF;
	v42, _, _ =	vpop (xrf0)  }
0xb3: {  	(v2sf) =	vpush v42, $0xF  }
0xb4: {  	(v2sf) =	vpush v41, $0xF  }
0xb5: {  	v43, _, _ =	vpop (xrf0)  }
0xb6: {  	(v2sf) =	vpush v43, $0xF;
	_ =	sdelay $0x2  }
0xb7: {  	v44 =	vshll.u32 v6, $0x9;
	v17 =	vshll.u32 v17, $0x7  }
0xb8: {  	v20 =	vand.u32 $0xFF80, v20;
	v19 =	vshll.u32 v19, $0x12;
	v12 =	vand.u32 $0xFF80, v12  }
0xb9: {  	v11 =	vshll.u32 v11, $0x12;
	v6 =	vand.u32 $0x7F, v6;
	v24 =	vand.u32 $0x30000, v44;
	s6 =	spop (v2sf)  }
0xba: {  	v54 =	vshll.u32 v13, $0x9;
	v17 =	vand.u32 $0xFF80, v17;
	v45 =	vshll.u32 v14, $0x9;
	s7 =	spop (v2sf)  }
0xbb: {  	v19 =	vor.u32 v19, v24;
	v26 =	vand.u32 $0x30000, v45;
	v46 =	vshll.u32 v25, $0x7;
	s8 =	spop (v2sf)  }
0xbc: {  	v52 =	vor.u32 v20, v19;
	v20 =	vand.u32 $0x30000, v54;
	v29 =	vshll.u32 v29, $0x12;
	s9 =	spop (v2sf)  }
0xbd: {  	v53 =	vand.u32 $0x7F, v9;
	v6 =	vor.u32 v6, v52;
	v56 =	vshll.u32 v16, $0x12;
	s26 =	sadd.s32 s1, s9  }
0xbe: {  	v28 =	vshll.u32 v57, $0x7;
	v55 =	vshll.u32 v9, $0x9;
	v16 =	vor.u32 v56, v20;
	s7 =	sadd.s32 s26, s7  }
0xbf: {  	v57 =	vand.u32 $0x7F, v13;
	v9 =	vand.u32 $0x30000, v55;
	v16 =	vor.u32 v17, v16;
	s10 =	spop (v2sf);
	s6 =	sadd.s32 s7, s6  }
0xc0: {  	v49 =	vshll.u32 v58, $0x12;
	v9 =	vor.u32 v11, v9;
	v58 =	vor.u32 v57, v16;
	s29 =	spop (v2sf);
	s8 =	sadd.s32 s6, s8  }
0xc1: {  	v26 =	vor.u32 v29, v26;
	v59 =	vand.u32 $0xFF80, v46;
	[tilespmem:s1+$0x6080] =	vst.msk vm7, v58;
	v9 =	vor.u32 v12, v9;
	s11 =	spop (v2sf);
	s9 =	sadd.s32 s8, s10  }
0xc2: {  	v13 =	vor.u32 v59, v26;
	v61 =	vand.u32 $0x7F, v14;
	v9 =	vor.u32 v53, v9;
	[tilespmem:s26+$0x6080] =	vst.msk vm2, v6;
	s10 =	sadd.s32 s9, s11  }
0xc3: {  	v15 =	vor.u32 v15, v18;
	v5 =	vand.u32 $0x7F, v5;
	v11 =	vor.u32 v61, v13;
	[tilespmem:s7+$0x6080] =	vst.msk vm1, v9;
	s12 =	spop (v2sf);
	s29 =	sadd.s32 s10, s29  }
0xc4: {  	v5 =	vor.u32 v5, v15;
	[tilespmem:s6+$0x6080] =	vst.msk vm4, v11;
	s25 =	sadd.s32 s29, s12  }
0xc5: {  	s7 =	simm.s32 $0x1;
	[tilespmem:s8+$0x6080] =	vst.msk vm0, v5;
	s8 =	simm.s32 $0x1;
	s11 =	sadd.s32 $0x7F, s25  }
0xc6: {  	p6 =	slt.s32 s25, $0x1;
	s12 =	sand.u32 $0x7F, s11;
	s26 =	sshra.s32 s11, $0x1F  }
0xc7: {  	p1 =	slt.s32 s11, $0x1;
	p0 =	sne.s32 s12, $0x0;
	s1 =	sshrl.u32 s26, $0x19  }
0xc8: {  	v10 =	vand.u32 $0xFF80, v10;
	v7 =	vshll.u32 v7, $0x12;
	s12 =	sand.u32 $0xF, s25;
	s26 =	sshra.s32 s25, $0x1F;
	p0 =	por !p1, !p0  }
0xc9: {  	v47 =	vshll.u32 v21, $0x9;
	v48 =	vshll.u32 v22, $0x9;
	v60 =	vshll.u32 v8, $0x9;
	s1 =	sadd.s32 s1, s11;
	p5 =	sne.s32 s12, $0x0;
	p0 =	por !p0, !p0  }
0xca: {  	v27 =	vand.u32 $0x30000, v47;
	v31 =	vand.u32 $0x30000, v48;
	v62 =	vand.u32 $0x30000, v60;
	s6 =	sshrl.u32 s26, $0x1C;
	s7 =	simm.s32 @!p0 $0x0;
	p0 =	por !p6, !p5  }
0xcb: {  	v50 =	vshll.u32 v32, $0x12;
	v51 =	vand.u32 $0xFF80, v28;
	v7 =	vor.u32 v7, v62;
	s1 =	sshra.s32 s1, $0x7;
	s6 =	sadd.s32 s6, s25;
	p0 =	por !p0, !p0  }
0xcc: {  	v27 =	vor.u32 v49, v27;
	v6 =	vor.u32 v10, v7;
	v7 =	vshll.u32 v23, $0x7;
	s6 =	sshra.s32 s6, $0x4;
	s1 =	ssub.s32 s1, s7;
	s8 =	simm.s32 @!p0 $0x0  }
0xcd: {  	v29 =	vor.u32 v50, v31;
	v63 =	vand.u32 $0x7F, v8;
	v7 =	vand.u32 $0xFF80, v7;
	s26 =	sshll.u32 s1, $0x3;
	s6 =	ssub.s32 s6, s8  }
0xce: {  	v6 =	vor.u32 v63, v6;
	v7 =	vor.u32 v7, v27;
	v5 =	vand.u32 $0x7F, v21;
	p0 =	sge.s32 s6, s26  }
.Ltmp4:
0xcf: {  	[tilespmem:s9+$0x6080] =	vst.msk vm5, v6;
	v6 =	vor.u32 v51, v29;
	v5 =	vor.u32 v5, v7;
	v7 =	vand.u32 $0x7F, v22;
	(pc) =	sbr.rel @p0 .LBB2_8-.Ltmp4, $4  }
0xd0: {  	v6 =	vor.u32 v7, v6;
	[tilespmem:s10+$0x6080] =	vst.msk vm13, v5  }
0xd1: {  	[tilespmem:s29+$0x6080] =	vst.msk vm6, v6  }
0xd2: {  	s29 =	simm.s32 $0x6080;
	_ =	strace $0x9000004A  }
0xd3: {  	v5 =	vld.msk [tilespmem:s29+$0x0], $0xffff;
	_ =	strace $0x8000004B  }
0xd4: {  	s7 =	sshll.u32 s6, $0x6  }
0xd5: {  	s7 =	sshra.s32 s7, $0x2  }
0xd6: {  	s7 =	sadd.s32 $0x6080, s7  }
0xd7: {  	v6 =	vmov s25;
	s25 =	sadd.s32 $0x1, s6;
	v7 =	vld [tilespmem:s7+$0x0]  }
0xd8: {  	p0 =	slt.s32 s25, s26  }
.Ltmp5:
0xd9: {  	s29 =	sshll.u32 s6, $0x4;
	(pc) =	sbr.rel @!p0 .LBB2_8-.Ltmp5, $4  }
0xda: {  	v8 =	vor.u32 s29, v4  }
0xdb: {  	vm0 =	vlt.s32 v8, v6  }
0xdc: {  	v7 =	vsel vm0, v7, v5  }
0xdd: {  	s6 =	sadd.s32 $0x10, s7;
	[tilespmem:s7+$0x0] =	vst v7  }
.LBB2_7:
0xde: {  	v7 =	vld [tilespmem:s6+$0x0];
	s25 =	sadd.s32 $0x1, s25  }
0xdf: {  	p0 =	slt.s32 s25, s26  }
.Ltmp6:
0xe0: {  	s29 =	sadd.s32 $0x10, s29;
	(pc) =	sbr.rel @p0 .LBB2_7-.Ltmp6, $4  }
0xe1: {  	v8 =	vor.u32 s29, v4  }
0xe2: {  	vm0 =	vlt.s32 v8, v6  }
0xe3: {  	v7 =	vsel vm0, v7, v5  }
0xe4: {  	[tilespmem:s6+$0x0] =	vst v7;
	s6 =	sadd.s32 $0x10, s6  }
.LBB2_8:
0xe5: {  	p0 =	slt.s32 s1, $0x1  }
.Ltmp7:
0xe6: {  	_ = 	snop;
	(pc) =	sbr.rel @p0 .LBB2_12-.Ltmp7, $3  }
0xe7: {  	_ =	sdelay $0x1  }
0xe8: {  	_ =	strace $0x9000004B  }
0xe9: {  	s25 =	simm.s32 $0x0;
	_ =	strace $0x8000004C  }
0xea: {  	s6 =	sshra.s32 s25, $0x2;
	p1 =	sne.s32 s26, $0x1  }
.Ltmp8:
0xeb: {  	v5 =	vld [tilespmem:s6+$0x6080];
	(pc) =	sbr.rel @!p1 .LBB2_11-.Ltmp8, $4  }
0xec: {  	_ = 	snop  }
0xed: {  	s7 =	sand.u32 $0xFFFFFE00, s25  }
0xee: {  	s8 =	sand.u32 $0x70, s25;
	s7 =	sshra.s32 s7, $0x2  }
0xef: {  	s26 =	sadd.s32 $0xFFFFFFFF, s26;
	s29 =	sadd.s32 $0x40, s25;
	s6 =	sor.u32 s8, s7  }
.LBB2_10:
0xf0: {  	s7 =	sshra.s32 s29, $0x2;
	p1 =	sne.s32 s26, $0x1;
	s26 =	sadd.s32 $0xFFFFFFFF, s26;
	[tilespmem:s6+$0x8100] =	vst v5  }
.Ltmp9:
0xf1: {  	v5 =	vld [tilespmem:s7+$0x6080];
	(pc) =	sbr.rel @p1 .LBB2_10-.Ltmp9, $4  }
0xf2: {  	_ = 	snop  }
0xf3: {  	s6 =	sand.u32 $0xFFFFFE00, s29;
	s25 =	sadd.s32 $0x10, s25  }
0xf4: {  	s7 =	sand.u32 $0x70, s25;
	s6 =	sshra.s32 s6, $0x2  }
0xf5: {  	s29 =	sadd.s32 $0x40, s29;
	s6 =	sor.u32 s7, s6  }
.LBB2_11:
0xf6: {  	[tilespmem:s6+$0x8100] =	vst v5  }
.LBB2_12:
0xf7: {  	_ =	strace $0x9000004C  }
0xf8: {  	_ =	strace $0x8000004D  }
0xf9: {  	_ =	swait.ge [sflag:s30], $0x2000  }
0xfa: {  	[sflag:s30] =	ssyncset.done $0x0  }
0xfb: {  	[sflag:s30] =	ssyncadd.s32 $0xFFFFE000  }
0xfc: {  	_ =	swait.ge [sflag:s30], $0x2000  }
0xfd: {  	[sflag:s30] =	ssyncset.done $0x0  }
0xfe: {  	[sflag:s30] =	ssyncadd.s32 $0xFFFFE000  }
0xff: {  	_ =	swait.ge [sflag:s30], $0x2000  }
0x100: {  	[sflag:s30] =	ssyncset.done $0x0  }
0x101: {  	[sflag:s30] =	ssyncadd.s32 $0xFFFFE000  }
0x102: {  	_ =	swait.ge [sflag:s30], $0x2000  }
0x103: {  	[sflag:s30] =	ssyncset.done $0x0  }
0x104: {  	[sflag:s30] =	ssyncadd.s32 $0xFFFFE000  }
0x105: {  	_ =	swait.ge [sflag:s30], $0x2000  }
0x106: {  	[sflag:s30] =	ssyncset.done $0x0  }
0x107: {  	[sflag:s30] =	ssyncadd.s32 $0xFFFFE000  }
0x108: {  	_ =	swait.ge [sflag:s30], $0x2000  }
0x109: {  	[sflag:s30] =	ssyncset.done $0x0  }
0x10a: {  	[sflag:s30] =	ssyncadd.s32 $0xFFFFE000  }
0x10b: {  	_ =	swait.ge [sflag:s30], $0x2000  }
0x10c: {  	[sflag:s30] =	ssyncset.done $0x0  }
0x10d: {  	[sflag:s30] =	ssyncadd.s32 $0xFFFFE000  }
0x10e: {  	_ =	swait.ge [sflag:s30], $0x2000  }
0x10f: {  	[sflag:s30] =	ssyncset.done $0x0  }
0x110: {  	[sflag:s30] =	ssyncadd.s32 $0xFFFFE000  }
0x111: {  	_ =	swait.ge [sflag:s30], $0x2000  }
0x112: {  	[sflag:s30] =	ssyncset.done $0x0  }
0x113: {  	[sflag:s30] =	ssyncadd.s32 $0xFFFFE000  }
0x114: {  	_ =	swait.ge [sflag:s30], $0x2000  }
0x115: {  	[sflag:s30] =	ssyncset.done $0x0  }
0x116: {  	[sflag:s30] =	ssyncadd.s32 $0xFFFFE000  }
0x117: {  	_ =	swait.ge [sflag:s30], $0x2000  }
0x118: {  	[sflag:s30] =	ssyncset.done $0x0  }
0x119: {  	[sflag:s30] =	ssyncadd.s32 $0xFFFFE000  }
0x11a: {  	_ =	swait.ge [sflag:s30], $0x2000  }
0x11b: {  	[sflag:s30] =	ssyncset.done $0x0  }
0x11c: {  	[sflag:s30] =	ssyncadd.s32 $0xFFFFE000  }
0x11d: {  	_ =	swait.ge [sflag:s30], $0x2000  }
0x11e: {  	[sflag:s30] =	ssyncset.done $0x0  }
0x11f: {  	[sflag:s30] =	ssyncadd.s32 $0xFFFFE000  }
0x120: {  	_ =	swait.ge [sflag:s30], $0x2000  }
0x121: {  	[sflag:s30] =	ssyncset.done $0x0  }
0x122: {  	[sflag:s30] =	ssyncadd.s32 $0xFFFFE000  }
0x123: {  	_ =	swait.ge [sflag:s30], $0x2000  }
0x124: {  	[sflag:s30] =	ssyncset.done $0x0  }
0x125: {  	[sflag:s30] =	ssyncadd.s32 $0xFFFFE000  }
0x126: {  	_ =	swait.ge [sflag:s30], $0x2000  }
0x127: {  	[sflag:s30] =	ssyncset.done $0x0  }
0x128: {  	[sflag:s30] =	ssyncadd.s32 $0xFFFFE000  }
.Ltmp10:
0x129: {  	_ =	strace $0x9000004D;
	(pc) =	sbr.rel @p0 .LBB2_16-.Ltmp10, $4  }
0x12a: {  	_ =	strace $0x8000004E  }
0x12b: {  	[bflag:$0x0] =	sbarrier.arrive $0xFFFF  }
0x12c: {  	_ =	strace $0x9000004E  }
0x12d: {  	_ =	strace $0x8000004F  }
0x12e: {  	p0 =	sne.s32 s1, $0x1  }
.Ltmp11:
0x12f: {  	_ = 	snop;
	(pc) =	sbr.rel @!p0 .LBB2_15-.Ltmp11, $4  }
0x130: {  	s25 =	simm.s32 $0x8100  }
0x131: {  	[hbm4b:s3+s23] =	stream.indirect.scatter [tilespmem:s31], [sflag:$0x3], $0x1, s25, s23, $0x2000b8;
	[tilespmem:$0xA100] =	vst v63  }
0x132: {  	_ =	swait.ge [sflag:s0], $0x80  }
0x133: {  	s1 =	sadd.s32 $0xFFFFFFFF, s1;
	[sflag:s0] =	ssyncset.done $0x0  }
.LBB2_14:
0x134: {  	p0 =	sne.s32 s1, $0x1;
	[sflag:s0] =	ssyncadd.s32 $0xFFFFFF80;
	s25 =	sadd.s32 $0x80, s25  }
.Ltmp12:
0x135: {  	s1 =	sadd.s32 $0xFFFFFFFF, s1;
	(pc) =	sbr.rel @p0 .LBB2_14-.Ltmp12, $4  }
0x136: {  	_ = 	snop  }
0x137: {  	[hbm4b:s3+s23] =	stream.indirect.scatter [tilespmem:s31], [sflag:$0x3], $0x1, s25, s23, $0x2000b8;
	[tilespmem:$0xA100] =	vst v63  }
0x138: {  	_ =	swait.ge [sflag:s0], $0x80  }
0x139: {  	[sflag:s0] =	ssyncset.done $0x0  }
.Ltmp13:
0x13a: {  	_ = 	snop;
	(pc) =	sbr.rel .LBB2_15-.Ltmp13, $1  }
0x13b: {  	_ =	sdelay $0x3  }
.LBB2_17:
0x13c: {  	_ =	sfence.sel $0x180000  }
0x13d: {  	[bflag:$0x0] =	sbarrier.arrive $0xFFFF  }
0x13e: {  	_ =	strace $0x90000047  }
0x13f: {  	s0 =	stileid.u32;
	[bflag:$0x2] =	sbarrier.arrive $0xFFFF  }
0x140: {  	p0 =	sne.s32 s0, $0x0;
	s0 =	rddreg [dreg:$0x2]  }
0x141: {  	s0 =	sadd.s32 @!p0 $0x100000, s0  }
0x142: {  	[sflag:s0] =	ssyncadd.tile.s32 @!p0 $0x1;
	_ =	shalt  }
.Lfunc_end2:
_tile_overlayer_lowered:
.L_overlay_start_2:
0x143: {  	(tag) =	ssettag $0x2  }
0x144: {  	s0 =	rddreg [dreg:$0x0];
	s2 =	stileid.u32  }
0x145: {  	s1 =	rddreg [dreg:$0x1];
	p0 =	sne.s32 s2, $0x0  }
0x146: {  	s3 =	rddreg [dreg:$0x2];
	[bflag:$0x3] =	sbarrier.arrive $0xFFFF;
	s2 =	simm.s32 @!p0 $0x1C03  }
0x147: {  	[timem:s3], [sflag:s2] =	dma.local @!p0 [hbm:s0], s1  }
0x148: {  	s0 =	simm.s32 @!p0 $0x3  }
0x149: {  	_ =	swait.ge @!p0 [sflag:s0], s1  }
0x14a: {  	s1 =	ssub.s32 @!p0 $0x0, s1;
	[sflag:s0] =	ssyncset.done @!p0 $0x0  }
0x14b: {  	[sflag:s0] =	ssyncadd.s32 @!p0 s1  }
0x14c: {  	[bflag:$0x3] =	sbarrier.arrive $0xFFFF  }
0x14d: {  	_ =	shalt  }

</sc_bundles>
